<compile_context>
chip_gen: v7x
topology: tpu7x:2x2x1
jax: 0.10.2.dev20260603
libtpu: 0.0.44.dev20260713+nightly
codegen_flags: <defaults>
</compile_context>

<pallas_src>
import functools

import jax
import jax.numpy as jnp
from jax import lax
from jax.experimental import pallas as pl
from jax.experimental.pallas import tpu as pltpu
from jax.experimental.pallas import tpu_sc as plsc

N = 4096
M = 200
DIM = 64
NW = 32
IT = 128
L = 16
UNROLL = 2


def _make_sc_gather():
    mesh = plsc.VectorSubcoreMesh(core_axis_name="c", subcore_axis_name="s")

    @functools.partial(
        pl.kernel,
        mesh=mesh,
        out_type=jax.ShapeDtypeStruct((M, DIM // 8, N // IT, 8, IT), jnp.float32),
        scratch_types=[
            pltpu.VMEM((M, IT), jnp.int32),
            pltpu.VMEM((2, IT, DIM), jnp.float32),
            pltpu.VMEM((2, DIM // 8, 8, IT + 1), jnp.float32),
            pltpu.VMEM_SHARED((N, DIM), jnp.float32),
            pltpu.SemaphoreType.DMA,
            pltpu.SemaphoreType.DMA,
            pltpu.SemaphoreType.DMA,
            pltpu.SemaphoreType.DMA,
        ],
        compiler_params=pltpu.CompilerParams(
            use_tc_tiling_on_sc=False, needs_layout_passes=False
        ),
    )
    def gather_kernel(xt_hbm, table_hbm, out_hbm, xblk_v, g_v, t_v,
                      tbl_s, gsem0, gsem1, wsem0, wsem1):
        wid = lax.axis_index("s") * 2 + lax.axis_index("c")
        gsems = (gsem0, gsem1)
        wsems = (wsem0, wsem1)

        @pl.when(lax.axis_index("s") == 0)
        def _():
            pltpu.sync_copy(table_hbm, tbl_s)

        pltpu.sync_copy(xt_hbm.at[:, pl.ds(wid * IT, IT)], xblk_v)
        plsc.subcore_barrier()

        def gather(j, b):
            return pltpu.make_async_copy(
                tbl_s.at[xblk_v.at[j]], g_v.at[b], gsems[b]
            )

        def write_j(j, b):
            return pltpu.make_async_copy(
                t_v.at[b, :, :, pl.ds(0, IT)],
                out_hbm.at[j, :, wid],
                wsems[b],
            )

        def write_start(j, b):
            write_j(j, b).start()

        def write_wait(j, b):
            write_j(j, b).wait()

        iota = lax.iota(jnp.int32, L)
        dt_c = [(iota + (L * k)) >> 3 for k in range(DIM // L)]
        ds_c = [(iota + (L * k)) & 7 for k in range(DIM // L)]

        def transpose(b):
            @plsc.parallel_loop(0, IT, step=UNROLL, unroll=1)
            def tr_body(i0):
                for u in range(UNROLL):
                    i = i0 + u
                    il = jnp.full((L,), 0, jnp.int32) + i
                    for k in range(DIM // L):
                        v = g_v[b, i, pl.ds(L * k, L)]
                        plsc.store_scatter(t_v.at[b], [dt_c[k], ds_c[k], il], v)

        gather(0, 0).start()

        def body(jj, carry):
            for b in (0, 1):
                j = 2 * jj + b

                @pl.when(j + 1 < M)
                def _():
                    gather(j + 1, 1 - b).start()

                gather(j, b).wait()

                @pl.when(j >= 2)
                def _():
                    write_wait(j - 2, b)

                transpose(b)
                write_start(j, b)
            return carry

        lax.fori_loop(0, M // 2, body, 0)
        write_wait(M - 2, 0)
        write_wait(M - 1, 1)

    return gather_kernel


_sc_gather = _make_sc_gather()


@jax.jit
def kernel(x, E_relative_position):
    xt = x.astype(jnp.int32).T
    p = _sc_gather(xt, E_relative_position)
    return p.transpose(2, 4, 0, 1, 3).reshape(N, M, DIM)

# --- scband reference (transcript-rebuilt; emitter-appended) ---
"""Pipeline reference for scband-relative-position-encoding-89361089560796 (READ-ONLY COPY).

The authoritative reference and input builder live on the scoring server;
editing this copy changes nothing except your own understanding.
"""

import jax, jax.numpy as jnp
import numpy as np

ATTRIBUTES_NUM = 4096
E_DIMS = 64


def setup_inputs(seed: int = 0) -> dict:
    key = jax.random.key(seed)
    k1, k2 = jax.random.split(key)
    E_relative_position = jax.random.normal(k1, (ATTRIBUTES_NUM, E_DIMS), dtype=jnp.float32)
    x = jax.random.randint(k2, (4096, 200), 0, ATTRIBUTES_NUM, dtype=jnp.int64) if jax.config.jax_enable_x64 else jax.random.randint(k2, (4096, 200), 0, ATTRIBUTES_NUM, dtype=jnp.int32)
    return {"x": x, "E_relative_position": E_relative_position}


def reference(x, E_relative_position):
    # Faithful translation of: return self.E_relative_position[x, :]
    return jnp.take(E_relative_position, x, axis=0)

if __name__ == "__main__":
    import jax
    _d = setup_inputs()
    print(jax.jit(kernel)(*tuple(_d.values())))

</pallas_src>

<mosaic_0001>
#map = affine_map<(d0, d1) -> (0, 0)>
#map1 = affine_map<(d0, d1) -> (0, 0, 0, 0, 0)>
module attributes {stable_mosaic.version = 14 : i64} {
  func.func @gather_kernel(%arg0: i32, %arg1: i32, %arg2: memref<200x4096xi32, #tpu.memory_space<hbm>>, %arg3: memref<4096x64xf32, #tpu.memory_space<hbm>>, %arg4: memref<200x8x32x8x128xf32, #tpu.memory_space<hbm>>, %arg5: memref<200x128xi32, #tpu.memory_space<vmem>>, %arg6: memref<2x128x64xf32, #tpu.memory_space<vmem>>, %arg7: memref<2x8x8x129xf32, #tpu.memory_space<vmem>>, %arg8: memref<4096x64xf32, #tpu.memory_space<vmem_shared>>, %arg9: memref<!tpu.dma_semaphore, #tpu.memory_space<semaphore_mem>>, %arg10: memref<!tpu.dma_semaphore, #tpu.memory_space<semaphore_mem>>, %arg11: memref<!tpu.dma_semaphore, #tpu.memory_space<semaphore_mem>>, %arg12: memref<!tpu.dma_semaphore, #tpu.memory_space<semaphore_mem>>) attributes {dimension_semantics = [#tpu.dimension_semantics<core_parallel>, #tpu.dimension_semantics<subcore_parallel>], iteration_bounds = array<i64: 2, 16>, scalar_prefetch = 0 : i64, scratch_operands = 8 : i64, tpu.core_type = #tpu.core_type<sc_vector_subcore>, window_params = [{transform_indices = #map}, {transform_indices = #map}, {transform_indices = #map1}]} {
    %mul3A = arith.constant 2 : i32
    %mul3A_0 = arith.muli %arg1, %mul3A : i32
    %add3A = arith.addi %mul3A_0, %arg0 : i32
    %eq3A = arith.constant 0 : i32
    %eq3A_1 = arith.cmpi eq, %arg1, %eq3A : i32
    %convert_element_type3A = arith.extui %eq3A_1 : i1 to i32
    %cond3A = arith.constant 0 : i32
    %cond3A_2 = arith.cmpi ne, %convert_element_type3A, %cond3A : i32
    scf.if %cond3A_2 {
      "tpu.region"() ({
        %run_scoped3A = tpu.sem_alloc : memref<!tpu.dma_semaphore, #tpu.memory_space<semaphore_mem>>
        tpu.enqueue_dma source(%arg3 : memref<4096x64xf32, #tpu.memory_space<hbm>>) target(%arg8 : memref<4096x64xf32, #tpu.memory_space<vmem_shared>>) target_semaphore(%run_scoped3A : memref<!tpu.dma_semaphore, #tpu.memory_space<semaphore_mem>>)
        tpu.wait_dma2 semaphore(%run_scoped3A : memref<!tpu.dma_semaphore, #tpu.memory_space<semaphore_mem>>) src(%arg3 : memref<4096x64xf32, #tpu.memory_space<hbm>>) dst(%arg8 : memref<4096x64xf32, #tpu.memory_space<vmem_shared>>)
        tpu.yield
      }) : () -> ()
    } else {
    }
    %mul3A_3 = arith.constant 128 : i32
    %mul3A_4 = arith.muli %add3A, %mul3A_3 : i32
    "tpu.region"() ({
      %run_scoped3A = tpu.sem_alloc : memref<!tpu.dma_semaphore, #tpu.memory_space<semaphore_mem>>
      %dma_start3A_110 = arith.constant 0 : i32
      %dma_start3A_111 = tpu.memref_slice %arg2[%dma_start3A_110, %mul3A_4] : memref<200x4096xi32, #tpu.memory_space<hbm>> -> memref<200x128xi32, #tpu.memory_space<hbm>>
      %dma_start3A_112 = arith.constant 0 : i32
      %dma_start3A_113 = tpu.memref_slice %arg2[%dma_start3A_112, %mul3A_4] : memref<200x4096xi32, #tpu.memory_space<hbm>> -> memref<200x128xi32, #tpu.memory_space<hbm>>
      tpu.enqueue_dma source(%dma_start3A_113 : memref<200x128xi32, #tpu.memory_space<hbm>>) target(%arg5 : memref<200x128xi32, #tpu.memory_space<vmem>>) target_semaphore(%run_scoped3A : memref<!tpu.dma_semaphore, #tpu.memory_space<semaphore_mem>>)
      %dma_wait3A_114 = arith.constant 0 : i32
      %dma_wait3A_115 = tpu.memref_slice %arg2[%dma_wait3A_114, %mul3A_4] : memref<200x4096xi32, #tpu.memory_space<hbm>> -> memref<200x128xi32, #tpu.memory_space<hbm>>
      %dma_wait3A_116 = arith.constant 0 : i32
      %dma_wait3A_117 = tpu.memref_slice %arg2[%dma_wait3A_116, %mul3A_4] : memref<200x4096xi32, #tpu.memory_space<hbm>> -> memref<200x128xi32, #tpu.memory_space<hbm>>
      tpu.wait_dma2 semaphore(%run_scoped3A : memref<!tpu.dma_semaphore, #tpu.memory_space<semaphore_mem>>) src(%dma_wait3A_117 : memref<200x128xi32, #tpu.memory_space<hbm>>) dst(%arg5 : memref<200x128xi32, #tpu.memory_space<vmem>>)
      tpu.yield
    }) : () -> ()
    %barrier3A = arith.constant 0 : index
    tpu.barrier barrier_id(%barrier3A)
    %iota3A = tpu.iota {dimensions = array<i32: 0>} : vector<16xi32>
    %add3A_5 = arith.constant 0 : i32
    %add3A_6 = vector.broadcast %add3A_5 : i32 to vector<16xi32>
    %add3A_7 = arith.addi %iota3A, %add3A_6 : vector<16xi32>
    %shift_right_arithmetic3A = arith.constant 3 : i32
    %shift_right_arithmetic3A_8 = vector.broadcast %shift_right_arithmetic3A : i32 to vector<16xi32>
    %shift_right_arithmetic3A_9 = arith.shrsi %add3A_7, %shift_right_arithmetic3A_8 : vector<16xi32>
    %add3A_10 = arith.constant 16 : i32
    %add3A_11 = vector.broadcast %add3A_10 : i32 to vector<16xi32>
    %add3A_12 = arith.addi %iota3A, %add3A_11 : vector<16xi32>
    %shift_right_arithmetic3A_13 = arith.constant 3 : i32
    %shift_right_arithmetic3A_14 = vector.broadcast %shift_right_arithmetic3A_13 : i32 to vector<16xi32>
    %shift_right_arithmetic3A_15 = arith.shrsi %add3A_12, %shift_right_arithmetic3A_14 : vector<16xi32>
    %add3A_16 = arith.constant 32 : i32
    %add3A_17 = vector.broadcast %add3A_16 : i32 to vector<16xi32>
    %add3A_18 = arith.addi %iota3A, %add3A_17 : vector<16xi32>
    %shift_right_arithmetic3A_19 = arith.constant 3 : i32
    %shift_right_arithmetic3A_20 = vector.broadcast %shift_right_arithmetic3A_19 : i32 to vector<16xi32>
    %shift_right_arithmetic3A_21 = arith.shrsi %add3A_18, %shift_right_arithmetic3A_20 : vector<16xi32>
    %add3A_22 = arith.constant 48 : i32
    %add3A_23 = vector.broadcast %add3A_22 : i32 to vector<16xi32>
    %add3A_24 = arith.addi %iota3A, %add3A_23 : vector<16xi32>
    %shift_right_arithmetic3A_25 = arith.constant 3 : i32
    %shift_right_arithmetic3A_26 = vector.broadcast %shift_right_arithmetic3A_25 : i32 to vector<16xi32>
    %shift_right_arithmetic3A_27 = arith.shrsi %add3A_24, %shift_right_arithmetic3A_26 : vector<16xi32>
    %add3A_28 = arith.constant 0 : i32
    %add3A_29 = vector.broadcast %add3A_28 : i32 to vector<16xi32>
    %add3A_30 = arith.addi %iota3A, %add3A_29 : vector<16xi32>
    %and3A = arith.constant 7 : i32
    %and3A_31 = vector.broadcast %and3A : i32 to vector<16xi32>
    %and3A_32 = arith.andi %add3A_30, %and3A_31 : vector<16xi32>
    %add3A_33 = arith.constant 16 : i32
    %add3A_34 = vector.broadcast %add3A_33 : i32 to vector<16xi32>
    %add3A_35 = arith.addi %iota3A, %add3A_34 : vector<16xi32>
    %and3A_36 = arith.constant 7 : i32
    %and3A_37 = vector.broadcast %and3A_36 : i32 to vector<16xi32>
    %and3A_38 = arith.andi %add3A_35, %and3A_37 : vector<16xi32>
    %add3A_39 = arith.constant 32 : i32
    %add3A_40 = vector.broadcast %add3A_39 : i32 to vector<16xi32>
    %add3A_41 = arith.addi %iota3A, %add3A_40 : vector<16xi32>
    %and3A_42 = arith.constant 7 : i32
    %and3A_43 = vector.broadcast %and3A_42 : i32 to vector<16xi32>
    %and3A_44 = arith.andi %add3A_41, %and3A_43 : vector<16xi32>
    %add3A_45 = arith.constant 48 : i32
    %add3A_46 = vector.broadcast %add3A_45 : i32 to vector<16xi32>
    %add3A_47 = arith.addi %iota3A, %add3A_46 : vector<16xi32>
    %and3A_48 = arith.constant 7 : i32
    %and3A_49 = vector.broadcast %and3A_48 : i32 to vector<16xi32>
    %and3A_50 = arith.andi %add3A_47, %and3A_49 : vector<16xi32>
    %dma_start3A = arith.constant 0 : i32
    %dma_start3A_51 = arith.constant 0 : i32
    %dma_start3A_52 = arith.constant 0 : i32
    %dma_start3A_53 = arith.constant 0 : i32
    %dma_start3A_54 = tpu.memref_slice %arg6[%dma_start3A_51, %dma_start3A_52, %dma_start3A_53] : memref<2x128x64xf32, #tpu.memory_space<vmem>> -> memref<1x128x64xf32, #tpu.memory_space<vmem>>
    %dma_start3A_55 = tpu.memref_squeeze %dma_start3A_54 : memref<1x128x64xf32, #tpu.memory_space<vmem>> -> memref<128x64xf32, #tpu.memory_space<vmem>>
    %dma_start3A_56 = arith.constant 0 : i32
    %dma_start3A_57 = tpu.memref_slice %arg5[%dma_start3A, %dma_start3A_56] : memref<200x128xi32, #tpu.memory_space<vmem>> -> memref<1x128xi32, #tpu.memory_space<vmem>>
    %dma_start3A_58 = tpu.memref_squeeze %dma_start3A_57 : memref<1x128xi32, #tpu.memory_space<vmem>> -> memref<128xi32, #tpu.memory_space<vmem>>
    %dma_start3A_59 = arith.constant 0 : i32
    %dma_start3A_60 = arith.constant 0 : i32
    %dma_start3A_61 = tpu.memref_slice %arg8[%dma_start3A_59, %dma_start3A_60] : memref<4096x64xf32, #tpu.memory_space<vmem_shared>> -> memref<4096x64xf32, #tpu.memory_space<vmem_shared>>
    tpu.enqueue_indirect_dma source(%dma_start3A_61 : memref<4096x64xf32, #tpu.memory_space<vmem_shared>>) target(%dma_start3A_55 : memref<128x64xf32, #tpu.memory_space<vmem>>) offsets(%dma_start3A_58 : memref<128xi32, #tpu.memory_space<vmem>>) semaphore(%arg9 : memref<!tpu.dma_semaphore, #tpu.memory_space<semaphore_mem>>)
    %scan3A = arith.constant 0 : i32
    %scan3A_62 = arith.constant 0 : i32
    %scan3A_63 = arith.constant 100 : i32
    %scan3A_64 = arith.addi %scan3A_62, %scan3A_63 : i32
    %scan3A_65 = arith.constant 1 : i32
    scf.for %scan3A_110 = %scan3A_62 to %scan3A_64 step %scan3A_65  : i32 {
      %mul3A_111 = arith.constant 2 : i32
      %mul3A_112 = arith.muli %mul3A_111, %scan3A_110 : i32
      %add3A_113 = arith.constant 0 : i32
      %add3A_114 = arith.addi %mul3A_112, %add3A_113 : i32
      %add3A_115 = arith.constant 1 : i32
      %add3A_116 = arith.addi %add3A_114, %add3A_115 : i32
      %lt3A = arith.constant 200 : i32
      %lt3A_117 = arith.cmpi slt, %add3A_116, %lt3A : i32
      %convert_element_type3A_118 = arith.extui %lt3A_117 : i1 to i32
      %cond3A_119 = arith.constant 0 : i32
      %cond3A_120 = arith.cmpi ne, %convert_element_type3A_118, %cond3A_119 : i32
      scf.if %cond3A_120 {
        %add3A_210 = arith.constant 1 : i32
        %add3A_211 = arith.addi %add3A_114, %add3A_210 : i32
        %dma_start3A_212 = arith.constant 1 : i32
        %dma_start3A_213 = arith.constant 0 : i32
        %dma_start3A_214 = arith.constant 0 : i32
        %dma_start3A_215 = tpu.memref_slice %arg6[%dma_start3A_212, %dma_start3A_213, %dma_start3A_214] : memref<2x128x64xf32, #tpu.memory_space<vmem>> -> memref<1x128x64xf32, #tpu.memory_space<vmem>>
        %dma_start3A_216 = tpu.memref_squeeze %dma_start3A_215 : memref<1x128x64xf32, #tpu.memory_space<vmem>> -> memref<128x64xf32, #tpu.memory_space<vmem>>
        %dma_start3A_217 = arith.constant 0 : i32
        %dma_start3A_218 = tpu.memref_slice %arg5[%add3A_211, %dma_start3A_217] : memref<200x128xi32, #tpu.memory_space<vmem>> -> memref<1x128xi32, #tpu.memory_space<vmem>>
        %dma_start3A_219 = tpu.memref_squeeze %dma_start3A_218 : memref<1x128xi32, #tpu.memory_space<vmem>> -> memref<128xi32, #tpu.memory_space<vmem>>
        %dma_start3A_220 = arith.constant 0 : i32
        %dma_start3A_221 = arith.constant 0 : i32
        %dma_start3A_222 = tpu.memref_slice %arg8[%dma_start3A_220, %dma_start3A_221] : memref<4096x64xf32, #tpu.memory_space<vmem_shared>> -> memref<4096x64xf32, #tpu.memory_space<vmem_shared>>
        tpu.enqueue_indirect_dma source(%dma_start3A_222 : memref<4096x64xf32, #tpu.memory_space<vmem_shared>>) target(%dma_start3A_216 : memref<128x64xf32, #tpu.memory_space<vmem>>) offsets(%dma_start3A_219 : memref<128xi32, #tpu.memory_space<vmem>>) semaphore(%arg10 : memref<!tpu.dma_semaphore, #tpu.memory_space<semaphore_mem>>)
      } else {
      }
      %dma_wait3A_121 = arith.constant 0 : i32
      %dma_wait3A_122 = arith.constant 0 : i32
      %dma_wait3A_123 = arith.constant 0 : i32
      %dma_wait3A_124 = tpu.memref_slice %arg6[%dma_wait3A_121, %dma_wait3A_122, %dma_wait3A_123] : memref<2x128x64xf32, #tpu.memory_space<vmem>> -> memref<1x128x64xf32, #tpu.memory_space<vmem>>
      %dma_wait3A_125 = tpu.memref_squeeze %dma_wait3A_124 : memref<1x128x64xf32, #tpu.memory_space<vmem>> -> memref<128x64xf32, #tpu.memory_space<vmem>>
      %dma_wait3A_126 = arith.constant 0 : i32
      %dma_wait3A_127 = tpu.memref_slice %arg5[%add3A_114, %dma_wait3A_126] : memref<200x128xi32, #tpu.memory_space<vmem>> -> memref<1x128xi32, #tpu.memory_space<vmem>>
      %dma_wait3A_128 = tpu.memref_squeeze %dma_wait3A_127 : memref<1x128xi32, #tpu.memory_space<vmem>> -> memref<128xi32, #tpu.memory_space<vmem>>
      %dma_wait3A_129 = arith.constant 0 : i32
      %dma_wait3A_130 = arith.constant 0 : i32
      %dma_wait3A_131 = tpu.memref_slice %arg8[%dma_wait3A_129, %dma_wait3A_130] : memref<4096x64xf32, #tpu.memory_space<vmem_shared>> -> memref<4096x64xf32, #tpu.memory_space<vmem_shared>>
      tpu.wait_indirect_dma semaphore(%arg9 : memref<!tpu.dma_semaphore, #tpu.memory_space<semaphore_mem>>) src(%dma_wait3A_131 : memref<4096x64xf32, #tpu.memory_space<vmem_shared>>) dst(%dma_wait3A_125 : memref<128x64xf32, #tpu.memory_space<vmem>>)
      %ge3A = arith.constant 2 : i32
      %ge3A_132 = arith.cmpi sge, %add3A_114, %ge3A : i32
      %convert_element_type3A_133 = arith.extui %ge3A_132 : i1 to i32
      %cond3A_134 = arith.constant 0 : i32
      %cond3A_135 = arith.cmpi ne, %convert_element_type3A_133, %cond3A_134 : i32
      scf.if %cond3A_135 {
        %sub3A = arith.constant 2 : i32
        %sub3A_210 = arith.subi %add3A_114, %sub3A : i32
        %dma_wait3A_211 = arith.constant 0 : i32
        %dma_wait3A_212 = arith.constant 0 : i32
        %dma_wait3A_213 = arith.constant 0 : i32
        %dma_wait3A_214 = arith.constant 0 : i32
        %dma_wait3A_215 = tpu.memref_slice %arg7[%dma_wait3A_211, %dma_wait3A_212, %dma_wait3A_213, %dma_wait3A_214] : memref<2x8x8x129xf32, #tpu.memory_space<vmem>> -> memref<1x8x8x128xf32, #tpu.memory_space<vmem>>
        %dma_wait3A_216 = tpu.memref_squeeze %dma_wait3A_215 : memref<1x8x8x128xf32, #tpu.memory_space<vmem>> -> memref<8x8x128xf32, #tpu.memory_space<vmem>>
        %dma_wait3A_217 = arith.constant 0 : i32
        %dma_wait3A_218 = arith.constant 0 : i32
        %dma_wait3A_219 = arith.constant 0 : i32
        %dma_wait3A_220 = tpu.memref_slice %arg4[%sub3A_210, %dma_wait3A_217, %add3A, %dma_wait3A_218, %dma_wait3A_219] : memref<200x8x32x8x128xf32, #tpu.memory_space<hbm>> -> memref<1x8x1x8x128xf32, #tpu.memory_space<hbm>>
        %dma_wait3A_221 = tpu.memref_squeeze %dma_wait3A_220 : memref<1x8x1x8x128xf32, #tpu.memory_space<hbm>> -> memref<8x8x128xf32, #tpu.memory_space<hbm>>
        %dma_wait3A_222 = arith.constant 0 : i32
        %dma_wait3A_223 = arith.constant 0 : i32
        %dma_wait3A_224 = arith.constant 0 : i32
        %dma_wait3A_225 = tpu.memref_slice %arg4[%sub3A_210, %dma_wait3A_222, %add3A, %dma_wait3A_223, %dma_wait3A_224] : memref<200x8x32x8x128xf32, #tpu.memory_space<hbm>> -> memref<1x8x1x8x128xf32, #tpu.memory_space<hbm>>
        %dma_wait3A_226 = tpu.memref_squeeze %dma_wait3A_225 : memref<1x8x1x8x128xf32, #tpu.memory_space<hbm>> -> memref<8x8x128xf32, #tpu.memory_space<hbm>>
        %dma_wait3A_227 = arith.constant 0 : i32
        %dma_wait3A_228 = arith.constant 0 : i32
        %dma_wait3A_229 = arith.constant 0 : i32
        %dma_wait3A_230 = tpu.memref_slice %arg7[%dma_wait3A_211, %dma_wait3A_227, %dma_wait3A_228, %dma_wait3A_229] : memref<2x8x8x129xf32, #tpu.memory_space<vmem>> -> memref<1x8x8x128xf32, #tpu.memory_space<vmem>>
        %dma_wait3A_231 = tpu.memref_squeeze %dma_wait3A_230 : memref<1x8x8x128xf32, #tpu.memory_space<vmem>> -> memref<8x8x128xf32, #tpu.memory_space<vmem>>
        tpu.wait_dma2 semaphore(%arg11 : memref<!tpu.dma_semaphore, #tpu.memory_space<semaphore_mem>>) src(%dma_wait3A_231 : memref<8x8x128xf32, #tpu.memory_space<vmem>>) dst(%dma_wait3A_226 : memref<8x8x128xf32, #tpu.memory_space<hbm>>)
      } else {
      }
      %parallel_loop3A = arith.constant 0 : i32
      %parallel_loop3A_136 = arith.constant 128 : i32
      %parallel_loop3A_137 = arith.constant 2 : i32
      scf.for %parallel_loop3A_210 = %parallel_loop3A to %parallel_loop3A_136 step %parallel_loop3A_137  : i32 {
        %parallel_loop3A_211 = arith.constant 0 : i32
        %parallel_loop3A_212 = arith.addi %parallel_loop3A_210, %parallel_loop3A_211 : i32
        %parallel_loop3A_213 = arith.constant 0 : i32
        %parallel_loop3A_214 = vector.broadcast %parallel_loop3A_213 : i32 to vector<16xi32>
        %parallel_loop3A_215 = vector.broadcast %parallel_loop3A_212 : i32 to vector<16xi32>
        %parallel_loop3A_216 = arith.addi %parallel_loop3A_214, %parallel_loop3A_215 : vector<16xi32>
        %parallel_loop3A_217 = arith.constant 0 : i32
        %parallel_loop3A_218 = arith.index_cast %parallel_loop3A_217 : i32 to index
        %parallel_loop3A_219 = arith.index_cast %parallel_loop3A_212 : i32 to index
        %parallel_loop3A_220 = arith.constant 0 : index
        %parallel_loop3A_221 = tpu.vector_load %arg6[%parallel_loop3A_218, %parallel_loop3A_219, %parallel_loop3A_220] {strides = array<i32>} : memref<2x128x64xf32, #tpu.memory_space<vmem>>, vector<16xf32>,
        %parallel_loop3A_222 = arith.constant 0 : i32
        %parallel_loop3A_223 = arith.constant 0 : i32
        %parallel_loop3A_224 = arith.constant 0 : i32
        %parallel_loop3A_225 = arith.constant 0 : i32
        %parallel_loop3A_226 = tpu.memref_slice %arg7[%parallel_loop3A_222, %parallel_loop3A_223, %parallel_loop3A_224, %parallel_loop3A_225] : memref<2x8x8x129xf32, #tpu.memory_space<vmem>> -> memref<1x8x8x129xf32, #tpu.memory_space<vmem>>
        %parallel_loop3A_227 = tpu.memref_squeeze %parallel_loop3A_226 : memref<1x8x8x129xf32, #tpu.memory_space<vmem>> -> memref<8x8x129xf32, #tpu.memory_space<vmem>>
        tpu.vector_store_idx %parallel_loop3A_227[%shift_right_arithmetic3A_9, %and3A_32, %parallel_loop3A_216], %parallel_loop3A_221 : memref<8x8x129xf32, #tpu.memory_space<vmem>>[vector<16xi32>, vector<16xi32>, vector<16xi32>], vector<16xf32>,
        %parallel_loop3A_228 = arith.constant 0 : i32
        %parallel_loop3A_229 = arith.index_cast %parallel_loop3A_228 : i32 to index
        %parallel_loop3A_230 = arith.index_cast %parallel_loop3A_212 : i32 to index
        %parallel_loop3A_231 = arith.constant 16 : index
        %parallel_loop3A_232 = tpu.vector_load %arg6[%parallel_loop3A_229, %parallel_loop3A_230, %parallel_loop3A_231] {strides = array<i32>} : memref<2x128x64xf32, #tpu.memory_space<vmem>>, vector<16xf32>,
        %parallel_loop3A_233 = arith.constant 0 : i32
        %parallel_loop3A_234 = arith.constant 0 : i32
        %parallel_loop3A_235 = arith.constant 0 : i32
        %parallel_loop3A_236 = arith.constant 0 : i32
        %parallel_loop3A_237 = tpu.memref_slice %arg7[%parallel_loop3A_233, %parallel_loop3A_234, %parallel_loop3A_235, %parallel_loop3A_236] : memref<2x8x8x129xf32, #tpu.memory_space<vmem>> -> memref<1x8x8x129xf32, #tpu.memory_space<vmem>>
        %parallel_loop3A_238 = tpu.memref_squeeze %parallel_loop3A_237 : memref<1x8x8x129xf32, #tpu.memory_space<vmem>> -> memref<8x8x129xf32, #tpu.memory_space<vmem>>
        tpu.vector_store_idx %parallel_loop3A_238[%shift_right_arithmetic3A_15, %and3A_38, %parallel_loop3A_216], %parallel_loop3A_232 : memref<8x8x129xf32, #tpu.memory_space<vmem>>[vector<16xi32>, vector<16xi32>, vector<16xi32>], vector<16xf32>,
        %parallel_loop3A_239 = arith.constant 0 : i32
        %parallel_loop3A_240 = arith.index_cast %parallel_loop3A_239 : i32 to index
        %parallel_loop3A_241 = arith.index_cast %parallel_loop3A_212 : i32 to index
        %parallel_loop3A_242 = arith.constant 32 : index
        %parallel_loop3A_243 = tpu.vector_load %arg6[%parallel_loop3A_240, %parallel_loop3A_241, %parallel_loop3A_242] {strides = array<i32>} : memref<2x128x64xf32, #tpu.memory_space<vmem>>, vector<16xf32>,
        %parallel_loop3A_244 = arith.constant 0 : i32
        %parallel_loop3A_245 = arith.constant 0 : i32
        %parallel_loop3A_246 = arith.constant 0 : i32
        %parallel_loop3A_247 = arith.constant 0 : i32
        %parallel_loop3A_248 = tpu.memref_slice %arg7[%parallel_loop3A_244, %parallel_loop3A_245, %parallel_loop3A_246, %parallel_loop3A_247] : memref<2x8x8x129xf32, #tpu.memory_space<vmem>> -> memref<1x8x8x129xf32, #tpu.memory_space<vmem>>
        %parallel_loop3A_249 = tpu.memref_squeeze %parallel_loop3A_248 : memref<1x8x8x129xf32, #tpu.memory_space<vmem>> -> memref<8x8x129xf32, #tpu.memory_space<vmem>>
        tpu.vector_store_idx %parallel_loop3A_249[%shift_right_arithmetic3A_21, %and3A_44, %parallel_loop3A_216], %parallel_loop3A_243 : memref<8x8x129xf32, #tpu.memory_space<vmem>>[vector<16xi32>, vector<16xi32>, vector<16xi32>], vector<16xf32>,
        %parallel_loop3A_250 = arith.constant 0 : i32
        %parallel_loop3A_251 = arith.index_cast %parallel_loop3A_250 : i32 to index
        %parallel_loop3A_252 = arith.index_cast %parallel_loop3A_212 : i32 to index
        %parallel_loop3A_253 = arith.constant 48 : index
        %parallel_loop3A_254 = tpu.vector_load %arg6[%parallel_loop3A_251, %parallel_loop3A_252, %parallel_loop3A_253] {strides = array<i32>} : memref<2x128x64xf32, #tpu.memory_space<vmem>>, vector<16xf32>,
        %parallel_loop3A_255 = arith.constant 0 : i32
        %parallel_loop3A_256 = arith.constant 0 : i32
        %parallel_loop3A_257 = arith.constant 0 : i32
        %parallel_loop3A_258 = arith.constant 0 : i32
        %parallel_loop3A_259 = tpu.memref_slice %arg7[%parallel_loop3A_255, %parallel_loop3A_256, %parallel_loop3A_257, %parallel_loop3A_258] : memref<2x8x8x129xf32, #tpu.memory_space<vmem>> -> memref<1x8x8x129xf32, #tpu.memory_space<vmem>>
        %parallel_loop3A_260 = tpu.memref_squeeze %parallel_loop3A_259 : memref<1x8x8x129xf32, #tpu.memory_space<vmem>> -> memref<8x8x129xf32, #tpu.memory_space<vmem>>
        tpu.vector_store_idx %parallel_loop3A_260[%shift_right_arithmetic3A_27, %and3A_50, %parallel_loop3A_216], %parallel_loop3A_254 : memref<8x8x129xf32, #tpu.memory_space<vmem>>[vector<16xi32>, vector<16xi32>, vector<16xi32>], vector<16xf32>,
        %parallel_loop3A_261 = arith.constant 1 : i32
        %parallel_loop3A_262 = arith.addi %parallel_loop3A_210, %parallel_loop3A_261 : i32
        %parallel_loop3A_263 = arith.constant 0 : i32
        %parallel_loop3A_264 = vector.broadcast %parallel_loop3A_263 : i32 to vector<16xi32>
        %parallel_loop3A_265 = vector.broadcast %parallel_loop3A_262 : i32 to vector<16xi32>
        %parallel_loop3A_266 = arith.addi %parallel_loop3A_264, %parallel_loop3A_265 : vector<16xi32>
        %parallel_loop3A_267 = arith.constant 0 : i32
        %parallel_loop3A_268 = arith.index_cast %parallel_loop3A_267 : i32 to index
        %parallel_loop3A_269 = arith.index_cast %parallel_loop3A_262 : i32 to index
        %parallel_loop3A_270 = arith.constant 0 : index
        %parallel_loop3A_271 = tpu.vector_load %arg6[%parallel_loop3A_268, %parallel_loop3A_269, %parallel_loop3A_270] {strides = array<i32>} : memref<2x128x64xf32, #tpu.memory_space<vmem>>, vector<16xf32>,
        %parallel_loop3A_272 = arith.constant 0 : i32
        %parallel_loop3A_273 = arith.constant 0 : i32
        %parallel_loop3A_274 = arith.constant 0 : i32
        %parallel_loop3A_275 = arith.constant 0 : i32
        %parallel_loop3A_276 = tpu.memref_slice %arg7[%parallel_loop3A_272, %parallel_loop3A_273, %parallel_loop3A_274, %parallel_loop3A_275] : memref<2x8x8x129xf32, #tpu.memory_space<vmem>> -> memref<1x8x8x129xf32, #tpu.memory_space<vmem>>
        %parallel_loop3A_277 = tpu.memref_squeeze %parallel_loop3A_276 : memref<1x8x8x129xf32, #tpu.memory_space<vmem>> -> memref<8x8x129xf32, #tpu.memory_space<vmem>>
        tpu.vector_store_idx %parallel_loop3A_277[%shift_right_arithmetic3A_9, %and3A_32, %parallel_loop3A_266], %parallel_loop3A_271 : memref<8x8x129xf32, #tpu.memory_space<vmem>>[vector<16xi32>, vector<16xi32>, vector<16xi32>], vector<16xf32>,
        %parallel_loop3A_278 = arith.constant 0 : i32
        %parallel_loop3A_279 = arith.index_cast %parallel_loop3A_278 : i32 to index
        %parallel_loop3A_280 = arith.index_cast %parallel_loop3A_262 : i32 to index
        %parallel_loop3A_281 = arith.constant 16 : index
        %parallel_loop3A_282 = tpu.vector_load %arg6[%parallel_loop3A_279, %parallel_loop3A_280, %parallel_loop3A_281] {strides = array<i32>} : memref<2x128x64xf32, #tpu.memory_space<vmem>>, vector<16xf32>,
        %parallel_loop3A_283 = arith.constant 0 : i32
        %parallel_loop3A_284 = arith.constant 0 : i32
        %parallel_loop3A_285 = arith.constant 0 : i32
        %parallel_loop3A_286 = arith.constant 0 : i32
        %parallel_loop3A_287 = tpu.memref_slice %arg7[%parallel_loop3A_283, %parallel_loop3A_284, %parallel_loop3A_285, %parallel_loop3A_286] : memref<2x8x8x129xf32, #tpu.memory_space<vmem>> -> memref<1x8x8x129xf32, #tpu.memory_space<vmem>>
        %parallel_loop3A_288 = tpu.memref_squeeze %parallel_loop3A_287 : memref<1x8x8x129xf32, #tpu.memory_space<vmem>> -> memref<8x8x129xf32, #tpu.memory_space<vmem>>
        tpu.vector_store_idx %parallel_loop3A_288[%shift_right_arithmetic3A_15, %and3A_38, %parallel_loop3A_266], %parallel_loop3A_282 : memref<8x8x129xf32, #tpu.memory_space<vmem>>[vector<16xi32>, vector<16xi32>, vector<16xi32>], vector<16xf32>,
        %parallel_loop3A_289 = arith.constant 0 : i32
        %parallel_loop3A_290 = arith.index_cast %parallel_loop3A_289 : i32 to index
        %parallel_loop3A_291 = arith.index_cast %parallel_loop3A_262 : i32 to index
        %parallel_loop3A_292 = arith.constant 32 : index
        %parallel_loop3A_293 = tpu.vector_load %arg6[%parallel_loop3A_290, %parallel_loop3A_291, %parallel_loop3A_292] {strides = array<i32>} : memref<2x128x64xf32, #tpu.memory_space<vmem>>, vector<16xf32>,
        %parallel_loop3A_294 = arith.constant 0 : i32
        %parallel_loop3A_295 = arith.constant 0 : i32
        %parallel_loop3A_296 = arith.constant 0 : i32
        %parallel_loop3A_297 = arith.constant 0 : i32
        %parallel_loop3A_298 = tpu.memref_slice %arg7[%parallel_loop3A_294, %parallel_loop3A_295, %parallel_loop3A_296, %parallel_loop3A_297] : memref<2x8x8x129xf32, #tpu.memory_space<vmem>> -> memref<1x8x8x129xf32, #tpu.memory_space<vmem>>
        %parallel_loop3A_299 = tpu.memref_squeeze %parallel_loop3A_298 : memref<1x8x8x129xf32, #tpu.memory_space<vmem>> -> memref<8x8x129xf32, #tpu.memory_space<vmem>>
        tpu.vector_store_idx %parallel_loop3A_299[%shift_right_arithmetic3A_21, %and3A_44, %parallel_loop3A_266], %parallel_loop3A_293 : memref<8x8x129xf32, #tpu.memory_space<vmem>>[vector<16xi32>, vector<16xi32>, vector<16xi32>], vector<16xf32>,
        %parallel_loop3A_300 = arith.constant 0 : i32
        %parallel_loop3A_301 = arith.index_cast %parallel_loop3A_300 : i32 to index
        %parallel_loop3A_302 = arith.index_cast %parallel_loop3A_262 : i32 to index
        %parallel_loop3A_303 = arith.constant 48 : index
        %parallel_loop3A_304 = tpu.vector_load %arg6[%parallel_loop3A_301, %parallel_loop3A_302, %parallel_loop3A_303] {strides = array<i32>} : memref<2x128x64xf32, #tpu.memory_space<vmem>>, vector<16xf32>,
        %parallel_loop3A_305 = arith.constant 0 : i32
        %parallel_loop3A_306 = arith.constant 0 : i32
        %parallel_loop3A_307 = arith.constant 0 : i32
        %parallel_loop3A_308 = arith.constant 0 : i32
        %parallel_loop3A_309 = tpu.memref_slice %arg7[%parallel_loop3A_305, %parallel_loop3A_306, %parallel_loop3A_307, %parallel_loop3A_308] : memref<2x8x8x129xf32, #tpu.memory_space<vmem>> -> memref<1x8x8x129xf32, #tpu.memory_space<vmem>>
        %parallel_loop3A_310 = tpu.memref_squeeze %parallel_loop3A_309 : memref<1x8x8x129xf32, #tpu.memory_space<vmem>> -> memref<8x8x129xf32, #tpu.memory_space<vmem>>
        tpu.vector_store_idx %parallel_loop3A_310[%shift_right_arithmetic3A_27, %and3A_50, %parallel_loop3A_266], %parallel_loop3A_304 : memref<8x8x129xf32, #tpu.memory_space<vmem>>[vector<16xi32>, vector<16xi32>, vector<16xi32>], vector<16xf32>,
      } {sc.loop_unroll_factor = 1 : i64, sc.parallel_access}
      %dma_start3A_138 = arith.constant 0 : i32
      %dma_start3A_139 = arith.constant 0 : i32
      %dma_start3A_140 = arith.constant 0 : i32
      %dma_start3A_141 = arith.constant 0 : i32
      %dma_start3A_142 = tpu.memref_slice %arg7[%dma_start3A_138, %dma_start3A_139, %dma_start3A_140, %dma_start3A_141] : memref<2x8x8x129xf32, #tpu.memory_space<vmem>> -> memref<1x8x8x128xf32, #tpu.memory_space<vmem>>
      %dma_start3A_143 = tpu.memref_squeeze %dma_start3A_142 : memref<1x8x8x128xf32, #tpu.memory_space<vmem>> -> memref<8x8x128xf32, #tpu.memory_space<vmem>>
      %dma_start3A_144 = arith.constant 0 : i32
      %dma_start3A_145 = arith.constant 0 : i32
      %dma_start3A_146 = arith.constant 0 : i32
      %dma_start3A_147 = tpu.memref_slice %arg4[%add3A_114, %dma_start3A_144, %add3A, %dma_start3A_145, %dma_start3A_146] : memref<200x8x32x8x128xf32, #tpu.memory_space<hbm>> -> memref<1x8x1x8x128xf32, #tpu.memory_space<hbm>>
      %dma_start3A_148 = tpu.memref_squeeze %dma_start3A_147 : memref<1x8x1x8x128xf32, #tpu.memory_space<hbm>> -> memref<8x8x128xf32, #tpu.memory_space<hbm>>
      %dma_start3A_149 = arith.constant 0 : i32
      %dma_start3A_150 = arith.constant 0 : i32
      %dma_start3A_151 = arith.constant 0 : i32
      %dma_start3A_152 = tpu.memref_slice %arg4[%add3A_114, %dma_start3A_149, %add3A, %dma_start3A_150, %dma_start3A_151] : memref<200x8x32x8x128xf32, #tpu.memory_space<hbm>> -> memref<1x8x1x8x128xf32, #tpu.memory_space<hbm>>
      %dma_start3A_153 = tpu.memref_squeeze %dma_start3A_152 : memref<1x8x1x8x128xf32, #tpu.memory_space<hbm>> -> memref<8x8x128xf32, #tpu.memory_space<hbm>>
      %dma_start3A_154 = arith.constant 0 : i32
      %dma_start3A_155 = arith.constant 0 : i32
      %dma_start3A_156 = arith.constant 0 : i32
      %dma_start3A_157 = tpu.memref_slice %arg7[%dma_start3A_138, %dma_start3A_154, %dma_start3A_155, %dma_start3A_156] : memref<2x8x8x129xf32, #tpu.memory_space<vmem>> -> memref<1x8x8x128xf32, #tpu.memory_space<vmem>>
      %dma_start3A_158 = tpu.memref_squeeze %dma_start3A_157 : memref<1x8x8x128xf32, #tpu.memory_space<vmem>> -> memref<8x8x128xf32, #tpu.memory_space<vmem>>
      tpu.enqueue_dma source(%dma_start3A_158 : memref<8x8x128xf32, #tpu.memory_space<vmem>>) target(%dma_start3A_153 : memref<8x8x128xf32, #tpu.memory_space<hbm>>) target_semaphore(%arg11 : memref<!tpu.dma_semaphore, #tpu.memory_space<semaphore_mem>>)
      %mul3A_159 = arith.constant 2 : i32
      %mul3A_160 = arith.muli %mul3A_159, %scan3A_110 : i32
      %add3A_161 = arith.constant 1 : i32
      %add3A_162 = arith.addi %mul3A_160, %add3A_161 : i32
      %add3A_163 = arith.constant 1 : i32
      %add3A_164 = arith.addi %add3A_162, %add3A_163 : i32
      %lt3A_165 = arith.constant 200 : i32
      %lt3A_166 = arith.cmpi slt, %add3A_164, %lt3A_165 : i32
      %convert_element_type3A_167 = arith.extui %lt3A_166 : i1 to i32
      %cond3A_168 = arith.constant 0 : i32
      %cond3A_169 = arith.cmpi ne, %convert_element_type3A_167, %cond3A_168 : i32
      scf.if %cond3A_169 {
        %add3A_210 = arith.constant 1 : i32
        %add3A_211 = arith.addi %add3A_162, %add3A_210 : i32
        %dma_start3A_212 = arith.constant 0 : i32
        %dma_start3A_213 = arith.constant 0 : i32
        %dma_start3A_214 = arith.constant 0 : i32
        %dma_start3A_215 = tpu.memref_slice %arg6[%dma_start3A_212, %dma_start3A_213, %dma_start3A_214] : memref<2x128x64xf32, #tpu.memory_space<vmem>> -> memref<1x128x64xf32, #tpu.memory_space<vmem>>
        %dma_start3A_216 = tpu.memref_squeeze %dma_start3A_215 : memref<1x128x64xf32, #tpu.memory_space<vmem>> -> memref<128x64xf32, #tpu.memory_space<vmem>>
        %dma_start3A_217 = arith.constant 0 : i32
        %dma_start3A_218 = tpu.memref_slice %arg5[%add3A_211, %dma_start3A_217] : memref<200x128xi32, #tpu.memory_space<vmem>> -> memref<1x128xi32, #tpu.memory_space<vmem>>
        %dma_start3A_219 = tpu.memref_squeeze %dma_start3A_218 : memref<1x128xi32, #tpu.memory_space<vmem>> -> memref<128xi32, #tpu.memory_space<vmem>>
        %dma_start3A_220 = arith.constant 0 : i32
        %dma_start3A_221 = arith.constant 0 : i32
        %dma_start3A_222 = tpu.memref_slice %arg8[%dma_start3A_220, %dma_start3A_221] : memref<4096x64xf32, #tpu.memory_space<vmem_shared>> -> memref<4096x64xf32, #tpu.memory_space<vmem_shared>>
        tpu.enqueue_indirect_dma source(%dma_start3A_222 : memref<4096x64xf32, #tpu.memory_space<vmem_shared>>) target(%dma_start3A_216 : memref<128x64xf32, #tpu.memory_space<vmem>>) offsets(%dma_start3A_219 : memref<128xi32, #tpu.memory_space<vmem>>) semaphore(%arg9 : memref<!tpu.dma_semaphore, #tpu.memory_space<semaphore_mem>>)
      } else {
      }
      %dma_wait3A_170 = arith.constant 1 : i32
      %dma_wait3A_171 = arith.constant 0 : i32
      %dma_wait3A_172 = arith.constant 0 : i32
      %dma_wait3A_173 = tpu.memref_slice %arg6[%dma_wait3A_170, %dma_wait3A_171, %dma_wait3A_172] : memref<2x128x64xf32, #tpu.memory_space<vmem>> -> memref<1x128x64xf32, #tpu.memory_space<vmem>>
      %dma_wait3A_174 = tpu.memref_squeeze %dma_wait3A_173 : memref<1x128x64xf32, #tpu.memory_space<vmem>> -> memref<128x64xf32, #tpu.memory_space<vmem>>
      %dma_wait3A_175 = arith.constant 0 : i32
      %dma_wait3A_176 = tpu.memref_slice %arg5[%add3A_162, %dma_wait3A_175] : memref<200x128xi32, #tpu.memory_space<vmem>> -> memref<1x128xi32, #tpu.memory_space<vmem>>
      %dma_wait3A_177 = tpu.memref_squeeze %dma_wait3A_176 : memref<1x128xi32, #tpu.memory_space<vmem>> -> memref<128xi32, #tpu.memory_space<vmem>>
      %dma_wait3A_178 = arith.constant 0 : i32
      %dma_wait3A_179 = arith.constant 0 : i32
      %dma_wait3A_180 = tpu.memref_slice %arg8[%dma_wait3A_178, %dma_wait3A_179] : memref<4096x64xf32, #tpu.memory_space<vmem_shared>> -> memref<4096x64xf32, #tpu.memory_space<vmem_shared>>
      tpu.wait_indirect_dma semaphore(%arg10 : memref<!tpu.dma_semaphore, #tpu.memory_space<semaphore_mem>>) src(%dma_wait3A_180 : memref<4096x64xf32, #tpu.memory_space<vmem_shared>>) dst(%dma_wait3A_174 : memref<128x64xf32, #tpu.memory_space<vmem>>)
      %ge3A_181 = arith.constant 2 : i32
      %ge3A_182 = arith.cmpi sge, %add3A_162, %ge3A_181 : i32
      %convert_element_type3A_183 = arith.extui %ge3A_182 : i1 to i32
      %cond3A_184 = arith.constant 0 : i32
      %cond3A_185 = arith.cmpi ne, %convert_element_type3A_183, %cond3A_184 : i32
      scf.if %cond3A_185 {
        %sub3A = arith.constant 2 : i32
        %sub3A_210 = arith.subi %add3A_162, %sub3A : i32
        %dma_wait3A_211 = arith.constant 1 : i32
        %dma_wait3A_212 = arith.constant 0 : i32
        %dma_wait3A_213 = arith.constant 0 : i32
        %dma_wait3A_214 = arith.constant 0 : i32
        %dma_wait3A_215 = tpu.memref_slice %arg7[%dma_wait3A_211, %dma_wait3A_212, %dma_wait3A_213, %dma_wait3A_214] : memref<2x8x8x129xf32, #tpu.memory_space<vmem>> -> memref<1x8x8x128xf32, #tpu.memory_space<vmem>>
        %dma_wait3A_216 = tpu.memref_squeeze %dma_wait3A_215 : memref<1x8x8x128xf32, #tpu.memory_space<vmem>> -> memref<8x8x128xf32, #tpu.memory_space<vmem>>
        %dma_wait3A_217 = arith.constant 0 : i32
        %dma_wait3A_218 = arith.constant 0 : i32
        %dma_wait3A_219 = arith.constant 0 : i32
        %dma_wait3A_220 = tpu.memref_slice %arg4[%sub3A_210, %dma_wait3A_217, %add3A, %dma_wait3A_218, %dma_wait3A_219] : memref<200x8x32x8x128xf32, #tpu.memory_space<hbm>> -> memref<1x8x1x8x128xf32, #tpu.memory_space<hbm>>
        %dma_wait3A_221 = tpu.memref_squeeze %dma_wait3A_220 : memref<1x8x1x8x128xf32, #tpu.memory_space<hbm>> -> memref<8x8x128xf32, #tpu.memory_space<hbm>>
        %dma_wait3A_222 = arith.constant 0 : i32
        %dma_wait3A_223 = arith.constant 0 : i32
        %dma_wait3A_224 = arith.constant 0 : i32
        %dma_wait3A_225 = tpu.memref_slice %arg4[%sub3A_210, %dma_wait3A_222, %add3A, %dma_wait3A_223, %dma_wait3A_224] : memref<200x8x32x8x128xf32, #tpu.memory_space<hbm>> -> memref<1x8x1x8x128xf32, #tpu.memory_space<hbm>>
        %dma_wait3A_226 = tpu.memref_squeeze %dma_wait3A_225 : memref<1x8x1x8x128xf32, #tpu.memory_space<hbm>> -> memref<8x8x128xf32, #tpu.memory_space<hbm>>
        %dma_wait3A_227 = arith.constant 0 : i32
        %dma_wait3A_228 = arith.constant 0 : i32
        %dma_wait3A_229 = arith.constant 0 : i32
        %dma_wait3A_230 = tpu.memref_slice %arg7[%dma_wait3A_211, %dma_wait3A_227, %dma_wait3A_228, %dma_wait3A_229] : memref<2x8x8x129xf32, #tpu.memory_space<vmem>> -> memref<1x8x8x128xf32, #tpu.memory_space<vmem>>
        %dma_wait3A_231 = tpu.memref_squeeze %dma_wait3A_230 : memref<1x8x8x128xf32, #tpu.memory_space<vmem>> -> memref<8x8x128xf32, #tpu.memory_space<vmem>>
        tpu.wait_dma2 semaphore(%arg12 : memref<!tpu.dma_semaphore, #tpu.memory_space<semaphore_mem>>) src(%dma_wait3A_231 : memref<8x8x128xf32, #tpu.memory_space<vmem>>) dst(%dma_wait3A_226 : memref<8x8x128xf32, #tpu.memory_space<hbm>>)
      } else {
      }
      %parallel_loop3A_186 = arith.constant 0 : i32
      %parallel_loop3A_187 = arith.constant 128 : i32
      %parallel_loop3A_188 = arith.constant 2 : i32
      scf.for %parallel_loop3A_210 = %parallel_loop3A_186 to %parallel_loop3A_187 step %parallel_loop3A_188  : i32 {
        %parallel_loop3A_211 = arith.constant 0 : i32
        %parallel_loop3A_212 = arith.addi %parallel_loop3A_210, %parallel_loop3A_211 : i32
        %parallel_loop3A_213 = arith.constant 0 : i32
        %parallel_loop3A_214 = vector.broadcast %parallel_loop3A_213 : i32 to vector<16xi32>
        %parallel_loop3A_215 = vector.broadcast %parallel_loop3A_212 : i32 to vector<16xi32>
        %parallel_loop3A_216 = arith.addi %parallel_loop3A_214, %parallel_loop3A_215 : vector<16xi32>
        %parallel_loop3A_217 = arith.constant 1 : i32
        %parallel_loop3A_218 = arith.index_cast %parallel_loop3A_217 : i32 to index
        %parallel_loop3A_219 = arith.index_cast %parallel_loop3A_212 : i32 to index
        %parallel_loop3A_220 = arith.constant 0 : index
        %parallel_loop3A_221 = tpu.vector_load %arg6[%parallel_loop3A_218, %parallel_loop3A_219, %parallel_loop3A_220] {strides = array<i32>} : memref<2x128x64xf32, #tpu.memory_space<vmem>>, vector<16xf32>,
        %parallel_loop3A_222 = arith.constant 1 : i32
        %parallel_loop3A_223 = arith.constant 0 : i32
        %parallel_loop3A_224 = arith.constant 0 : i32
        %parallel_loop3A_225 = arith.constant 0 : i32
        %parallel_loop3A_226 = tpu.memref_slice %arg7[%parallel_loop3A_222, %parallel_loop3A_223, %parallel_loop3A_224, %parallel_loop3A_225] : memref<2x8x8x129xf32, #tpu.memory_space<vmem>> -> memref<1x8x8x129xf32, #tpu.memory_space<vmem>>
        %parallel_loop3A_227 = tpu.memref_squeeze %parallel_loop3A_226 : memref<1x8x8x129xf32, #tpu.memory_space<vmem>> -> memref<8x8x129xf32, #tpu.memory_space<vmem>>
        tpu.vector_store_idx %parallel_loop3A_227[%shift_right_arithmetic3A_9, %and3A_32, %parallel_loop3A_216], %parallel_loop3A_221 : memref<8x8x129xf32, #tpu.memory_space<vmem>>[vector<16xi32>, vector<16xi32>, vector<16xi32>], vector<16xf32>,
        %parallel_loop3A_228 = arith.constant 1 : i32
        %parallel_loop3A_229 = arith.index_cast %parallel_loop3A_228 : i32 to index
        %parallel_loop3A_230 = arith.index_cast %parallel_loop3A_212 : i32 to index
        %parallel_loop3A_231 = arith.constant 16 : index
        %parallel_loop3A_232 = tpu.vector_load %arg6[%parallel_loop3A_229, %parallel_loop3A_230, %parallel_loop3A_231] {strides = array<i32>} : memref<2x128x64xf32, #tpu.memory_space<vmem>>, vector<16xf32>,
        %parallel_loop3A_233 = arith.constant 1 : i32
        %parallel_loop3A_234 = arith.constant 0 : i32
        %parallel_loop3A_235 = arith.constant 0 : i32
        %parallel_loop3A_236 = arith.constant 0 : i32
        %parallel_loop3A_237 = tpu.memref_slice %arg7[%parallel_loop3A_233, %parallel_loop3A_234, %parallel_loop3A_235, %parallel_loop3A_236] : memref<2x8x8x129xf32, #tpu.memory_space<vmem>> -> memref<1x8x8x129xf32, #tpu.memory_space<vmem>>
        %parallel_loop3A_238 = tpu.memref_squeeze %parallel_loop3A_237 : memref<1x8x8x129xf32, #tpu.memory_space<vmem>> -> memref<8x8x129xf32, #tpu.memory_space<vmem>>
        tpu.vector_store_idx %parallel_loop3A_238[%shift_right_arithmetic3A_15, %and3A_38, %parallel_loop3A_216], %parallel_loop3A_232 : memref<8x8x129xf32, #tpu.memory_space<vmem>>[vector<16xi32>, vector<16xi32>, vector<16xi32>], vector<16xf32>,
        %parallel_loop3A_239 = arith.constant 1 : i32
        %parallel_loop3A_240 = arith.index_cast %parallel_loop3A_239 : i32 to index
        %parallel_loop3A_241 = arith.index_cast %parallel_loop3A_212 : i32 to index
        %parallel_loop3A_242 = arith.constant 32 : index
        %parallel_loop3A_243 = tpu.vector_load %arg6[%parallel_loop3A_240, %parallel_loop3A_241, %parallel_loop3A_242] {strides = array<i32>} : memref<2x128x64xf32, #tpu.memory_space<vmem>>, vector<16xf32>,
        %parallel_loop3A_244 = arith.constant 1 : i32
        %parallel_loop3A_245 = arith.constant 0 : i32
        %parallel_loop3A_246 = arith.constant 0 : i32
        %parallel_loop3A_247 = arith.constant 0 : i32
        %parallel_loop3A_248 = tpu.memref_slice %arg7[%parallel_loop3A_244, %parallel_loop3A_245, %parallel_loop3A_246, %parallel_loop3A_247] : memref<2x8x8x129xf32, #tpu.memory_space<vmem>> -> memref<1x8x8x129xf32, #tpu.memory_space<vmem>>
        %parallel_loop3A_249 = tpu.memref_squeeze %parallel_loop3A_248 : memref<1x8x8x129xf32, #tpu.memory_space<vmem>> -> memref<8x8x129xf32, #tpu.memory_space<vmem>>
        tpu.vector_store_idx %parallel_loop3A_249[%shift_right_arithmetic3A_21, %and3A_44, %parallel_loop3A_216], %parallel_loop3A_243 : memref<8x8x129xf32, #tpu.memory_space<vmem>>[vector<16xi32>, vector<16xi32>, vector<16xi32>], vector<16xf32>,
        %parallel_loop3A_250 = arith.constant 1 : i32
        %parallel_loop3A_251 = arith.index_cast %parallel_loop3A_250 : i32 to index
        %parallel_loop3A_252 = arith.index_cast %parallel_loop3A_212 : i32 to index
        %parallel_loop3A_253 = arith.constant 48 : index
        %parallel_loop3A_254 = tpu.vector_load %arg6[%parallel_loop3A_251, %parallel_loop3A_252, %parallel_loop3A_253] {strides = array<i32>} : memref<2x128x64xf32, #tpu.memory_space<vmem>>, vector<16xf32>,
        %parallel_loop3A_255 = arith.constant 1 : i32
        %parallel_loop3A_256 = arith.constant 0 : i32
        %parallel_loop3A_257 = arith.constant 0 : i32
        %parallel_loop3A_258 = arith.constant 0 : i32
        %parallel_loop3A_259 = tpu.memref_slice %arg7[%parallel_loop3A_255, %parallel_loop3A_256, %parallel_loop3A_257, %parallel_loop3A_258] : memref<2x8x8x129xf32, #tpu.memory_space<vmem>> -> memref<1x8x8x129xf32, #tpu.memory_space<vmem>>
        %parallel_loop3A_260 = tpu.memref_squeeze %parallel_loop3A_259 : memref<1x8x8x129xf32, #tpu.memory_space<vmem>> -> memref<8x8x129xf32, #tpu.memory_space<vmem>>
        tpu.vector_store_idx %parallel_loop3A_260[%shift_right_arithmetic3A_27, %and3A_50, %parallel_loop3A_216], %parallel_loop3A_254 : memref<8x8x129xf32, #tpu.memory_space<vmem>>[vector<16xi32>, vector<16xi32>, vector<16xi32>], vector<16xf32>,
        %parallel_loop3A_261 = arith.constant 1 : i32
        %parallel_loop3A_262 = arith.addi %parallel_loop3A_210, %parallel_loop3A_261 : i32
        %parallel_loop3A_263 = arith.constant 0 : i32
        %parallel_loop3A_264 = vector.broadcast %parallel_loop3A_263 : i32 to vector<16xi32>
        %parallel_loop3A_265 = vector.broadcast %parallel_loop3A_262 : i32 to vector<16xi32>
        %parallel_loop3A_266 = arith.addi %parallel_loop3A_264, %parallel_loop3A_265 : vector<16xi32>
        %parallel_loop3A_267 = arith.constant 1 : i32
        %parallel_loop3A_268 = arith.index_cast %parallel_loop3A_267 : i32 to index
        %parallel_loop3A_269 = arith.index_cast %parallel_loop3A_262 : i32 to index
        %parallel_loop3A_270 = arith.constant 0 : index
        %parallel_loop3A_271 = tpu.vector_load %arg6[%parallel_loop3A_268, %parallel_loop3A_269, %parallel_loop3A_270] {strides = array<i32>} : memref<2x128x64xf32, #tpu.memory_space<vmem>>, vector<16xf32>,
        %parallel_loop3A_272 = arith.constant 1 : i32
        %parallel_loop3A_273 = arith.constant 0 : i32
        %parallel_loop3A_274 = arith.constant 0 : i32
        %parallel_loop3A_275 = arith.constant 0 : i32
        %parallel_loop3A_276 = tpu.memref_slice %arg7[%parallel_loop3A_272, %parallel_loop3A_273, %parallel_loop3A_274, %parallel_loop3A_275] : memref<2x8x8x129xf32, #tpu.memory_space<vmem>> -> memref<1x8x8x129xf32, #tpu.memory_space<vmem>>
        %parallel_loop3A_277 = tpu.memref_squeeze %parallel_loop3A_276 : memref<1x8x8x129xf32, #tpu.memory_space<vmem>> -> memref<8x8x129xf32, #tpu.memory_space<vmem>>
        tpu.vector_store_idx %parallel_loop3A_277[%shift_right_arithmetic3A_9, %and3A_32, %parallel_loop3A_266], %parallel_loop3A_271 : memref<8x8x129xf32, #tpu.memory_space<vmem>>[vector<16xi32>, vector<16xi32>, vector<16xi32>], vector<16xf32>,
        %parallel_loop3A_278 = arith.constant 1 : i32
        %parallel_loop3A_279 = arith.index_cast %parallel_loop3A_278 : i32 to index
        %parallel_loop3A_280 = arith.index_cast %parallel_loop3A_262 : i32 to index
        %parallel_loop3A_281 = arith.constant 16 : index
        %parallel_loop3A_282 = tpu.vector_load %arg6[%parallel_loop3A_279, %parallel_loop3A_280, %parallel_loop3A_281] {strides = array<i32>} : memref<2x128x64xf32, #tpu.memory_space<vmem>>, vector<16xf32>,
        %parallel_loop3A_283 = arith.constant 1 : i32
        %parallel_loop3A_284 = arith.constant 0 : i32
        %parallel_loop3A_285 = arith.constant 0 : i32
        %parallel_loop3A_286 = arith.constant 0 : i32
        %parallel_loop3A_287 = tpu.memref_slice %arg7[%parallel_loop3A_283, %parallel_loop3A_284, %parallel_loop3A_285, %parallel_loop3A_286] : memref<2x8x8x129xf32, #tpu.memory_space<vmem>> -> memref<1x8x8x129xf32, #tpu.memory_space<vmem>>
        %parallel_loop3A_288 = tpu.memref_squeeze %parallel_loop3A_287 : memref<1x8x8x129xf32, #tpu.memory_space<vmem>> -> memref<8x8x129xf32, #tpu.memory_space<vmem>>
        tpu.vector_store_idx %parallel_loop3A_288[%shift_right_arithmetic3A_15, %and3A_38, %parallel_loop3A_266], %parallel_loop3A_282 : memref<8x8x129xf32, #tpu.memory_space<vmem>>[vector<16xi32>, vector<16xi32>, vector<16xi32>], vector<16xf32>,
        %parallel_loop3A_289 = arith.constant 1 : i32
        %parallel_loop3A_290 = arith.index_cast %parallel_loop3A_289 : i32 to index
        %parallel_loop3A_291 = arith.index_cast %parallel_loop3A_262 : i32 to index
        %parallel_loop3A_292 = arith.constant 32 : index
        %parallel_loop3A_293 = tpu.vector_load %arg6[%parallel_loop3A_290, %parallel_loop3A_291, %parallel_loop3A_292] {strides = array<i32>} : memref<2x128x64xf32, #tpu.memory_space<vmem>>, vector<16xf32>,
        %parallel_loop3A_294 = arith.constant 1 : i32
        %parallel_loop3A_295 = arith.constant 0 : i32
        %parallel_loop3A_296 = arith.constant 0 : i32
        %parallel_loop3A_297 = arith.constant 0 : i32
        %parallel_loop3A_298 = tpu.memref_slice %arg7[%parallel_loop3A_294, %parallel_loop3A_295, %parallel_loop3A_296, %parallel_loop3A_297] : memref<2x8x8x129xf32, #tpu.memory_space<vmem>> -> memref<1x8x8x129xf32, #tpu.memory_space<vmem>>
        %parallel_loop3A_299 = tpu.memref_squeeze %parallel_loop3A_298 : memref<1x8x8x129xf32, #tpu.memory_space<vmem>> -> memref<8x8x129xf32, #tpu.memory_space<vmem>>
        tpu.vector_store_idx %parallel_loop3A_299[%shift_right_arithmetic3A_21, %and3A_44, %parallel_loop3A_266], %parallel_loop3A_293 : memref<8x8x129xf32, #tpu.memory_space<vmem>>[vector<16xi32>, vector<16xi32>, vector<16xi32>], vector<16xf32>,
        %parallel_loop3A_300 = arith.constant 1 : i32
        %parallel_loop3A_301 = arith.index_cast %parallel_loop3A_300 : i32 to index
        %parallel_loop3A_302 = arith.index_cast %parallel_loop3A_262 : i32 to index
        %parallel_loop3A_303 = arith.constant 48 : index
        %parallel_loop3A_304 = tpu.vector_load %arg6[%parallel_loop3A_301, %parallel_loop3A_302, %parallel_loop3A_303] {strides = array<i32>} : memref<2x128x64xf32, #tpu.memory_space<vmem>>, vector<16xf32>,
        %parallel_loop3A_305 = arith.constant 1 : i32
        %parallel_loop3A_306 = arith.constant 0 : i32
        %parallel_loop3A_307 = arith.constant 0 : i32
        %parallel_loop3A_308 = arith.constant 0 : i32
        %parallel_loop3A_309 = tpu.memref_slice %arg7[%parallel_loop3A_305, %parallel_loop3A_306, %parallel_loop3A_307, %parallel_loop3A_308] : memref<2x8x8x129xf32, #tpu.memory_space<vmem>> -> memref<1x8x8x129xf32, #tpu.memory_space<vmem>>
        %parallel_loop3A_310 = tpu.memref_squeeze %parallel_loop3A_309 : memref<1x8x8x129xf32, #tpu.memory_space<vmem>> -> memref<8x8x129xf32, #tpu.memory_space<vmem>>
        tpu.vector_store_idx %parallel_loop3A_310[%shift_right_arithmetic3A_27, %and3A_50, %parallel_loop3A_266], %parallel_loop3A_304 : memref<8x8x129xf32, #tpu.memory_space<vmem>>[vector<16xi32>, vector<16xi32>, vector<16xi32>], vector<16xf32>,
      } {sc.loop_unroll_factor = 1 : i64, sc.parallel_access}
      %dma_start3A_189 = arith.constant 1 : i32
      %dma_start3A_190 = arith.constant 0 : i32
      %dma_start3A_191 = arith.constant 0 : i32
      %dma_start3A_192 = arith.constant 0 : i32
      %dma_start3A_193 = tpu.memref_slice %arg7[%dma_start3A_189, %dma_start3A_190, %dma_start3A_191, %dma_start3A_192] : memref<2x8x8x129xf32, #tpu.memory_space<vmem>> -> memref<1x8x8x128xf32, #tpu.memory_space<vmem>>
      %dma_start3A_194 = tpu.memref_squeeze %dma_start3A_193 : memref<1x8x8x128xf32, #tpu.memory_space<vmem>> -> memref<8x8x128xf32, #tpu.memory_space<vmem>>
      %dma_start3A_195 = arith.constant 0 : i32
      %dma_start3A_196 = arith.constant 0 : i32
      %dma_start3A_197 = arith.constant 0 : i32
      %dma_start3A_198 = tpu.memref_slice %arg4[%add3A_162, %dma_start3A_195, %add3A, %dma_start3A_196, %dma_start3A_197] : memref<200x8x32x8x128xf32, #tpu.memory_space<hbm>> -> memref<1x8x1x8x128xf32, #tpu.memory_space<hbm>>
      %dma_start3A_199 = tpu.memref_squeeze %dma_start3A_198 : memref<1x8x1x8x128xf32, #tpu.memory_space<hbm>> -> memref<8x8x128xf32, #tpu.memory_space<hbm>>
      %dma_start3A_200 = arith.constant 0 : i32
      %dma_start3A_201 = arith.constant 0 : i32
      %dma_start3A_202 = arith.constant 0 : i32
      %dma_start3A_203 = tpu.memref_slice %arg4[%add3A_162, %dma_start3A_200, %add3A, %dma_start3A_201, %dma_start3A_202] : memref<200x8x32x8x128xf32, #tpu.memory_space<hbm>> -> memref<1x8x1x8x128xf32, #tpu.memory_space<hbm>>
      %dma_start3A_204 = tpu.memref_squeeze %dma_start3A_203 : memref<1x8x1x8x128xf32, #tpu.memory_space<hbm>> -> memref<8x8x128xf32, #tpu.memory_space<hbm>>
      %dma_start3A_205 = arith.constant 0 : i32
      %dma_start3A_206 = arith.constant 0 : i32
      %dma_start3A_207 = arith.constant 0 : i32
      %dma_start3A_208 = tpu.memref_slice %arg7[%dma_start3A_189, %dma_start3A_205, %dma_start3A_206, %dma_start3A_207] : memref<2x8x8x129xf32, #tpu.memory_space<vmem>> -> memref<1x8x8x128xf32, #tpu.memory_space<vmem>>
      %dma_start3A_209 = tpu.memref_squeeze %dma_start3A_208 : memref<1x8x8x128xf32, #tpu.memory_space<vmem>> -> memref<8x8x128xf32, #tpu.memory_space<vmem>>
      tpu.enqueue_dma source(%dma_start3A_209 : memref<8x8x128xf32, #tpu.memory_space<vmem>>) target(%dma_start3A_204 : memref<8x8x128xf32, #tpu.memory_space<hbm>>) target_semaphore(%arg12 : memref<!tpu.dma_semaphore, #tpu.memory_space<semaphore_mem>>)
    }
    %scan3A_66 = arith.constant 100 : i32
    %dma_wait3A = arith.constant 0 : i32
    %dma_wait3A_67 = arith.constant 198 : i32
    %dma_wait3A_68 = arith.constant 0 : i32
    %dma_wait3A_69 = arith.constant 0 : i32
    %dma_wait3A_70 = arith.constant 0 : i32
    %dma_wait3A_71 = tpu.memref_slice %arg7[%dma_wait3A, %dma_wait3A_68, %dma_wait3A_69, %dma_wait3A_70] : memref<2x8x8x129xf32, #tpu.memory_space<vmem>> -> memref<1x8x8x128xf32, #tpu.memory_space<vmem>>
    %dma_wait3A_72 = tpu.memref_squeeze %dma_wait3A_71 : memref<1x8x8x128xf32, #tpu.memory_space<vmem>> -> memref<8x8x128xf32, #tpu.memory_space<vmem>>
    %dma_wait3A_73 = arith.constant 0 : i32
    %dma_wait3A_74 = arith.constant 0 : i32
    %dma_wait3A_75 = arith.constant 0 : i32
    %dma_wait3A_76 = tpu.memref_slice %arg4[%dma_wait3A_67, %dma_wait3A_73, %add3A, %dma_wait3A_74, %dma_wait3A_75] : memref<200x8x32x8x128xf32, #tpu.memory_space<hbm>> -> memref<1x8x1x8x128xf32, #tpu.memory_space<hbm>>
    %dma_wait3A_77 = tpu.memref_squeeze %dma_wait3A_76 : memref<1x8x1x8x128xf32, #tpu.memory_space<hbm>> -> memref<8x8x128xf32, #tpu.memory_space<hbm>>
    %dma_wait3A_78 = arith.constant 0 : i32
    %dma_wait3A_79 = arith.constant 0 : i32
    %dma_wait3A_80 = arith.constant 0 : i32
    %dma_wait3A_81 = tpu.memref_slice %arg4[%dma_wait3A_67, %dma_wait3A_78, %add3A, %dma_wait3A_79, %dma_wait3A_80] : memref<200x8x32x8x128xf32, #tpu.memory_space<hbm>> -> memref<1x8x1x8x128xf32, #tpu.memory_space<hbm>>
    %dma_wait3A_82 = tpu.memref_squeeze %dma_wait3A_81 : memref<1x8x1x8x128xf32, #tpu.memory_space<hbm>> -> memref<8x8x128xf32, #tpu.memory_space<hbm>>
    %dma_wait3A_83 = arith.constant 0 : i32
    %dma_wait3A_84 = arith.constant 0 : i32
    %dma_wait3A_85 = arith.constant 0 : i32
    %dma_wait3A_86 = tpu.memref_slice %arg7[%dma_wait3A, %dma_wait3A_83, %dma_wait3A_84, %dma_wait3A_85] : memref<2x8x8x129xf32, #tpu.memory_space<vmem>> -> memref<1x8x8x128xf32, #tpu.memory_space<vmem>>
    %dma_wait3A_87 = tpu.memref_squeeze %dma_wait3A_86 : memref<1x8x8x128xf32, #tpu.memory_space<vmem>> -> memref<8x8x128xf32, #tpu.memory_space<vmem>>
    tpu.wait_dma2 semaphore(%arg11 : memref<!tpu.dma_semaphore, #tpu.memory_space<semaphore_mem>>) src(%dma_wait3A_87 : memref<8x8x128xf32, #tpu.memory_space<vmem>>) dst(%dma_wait3A_82 : memref<8x8x128xf32, #tpu.memory_space<hbm>>)
    %dma_wait3A_88 = arith.constant 1 : i32
    %dma_wait3A_89 = arith.constant 199 : i32
    %dma_wait3A_90 = arith.constant 0 : i32
    %dma_wait3A_91 = arith.constant 0 : i32
    %dma_wait3A_92 = arith.constant 0 : i32
    %dma_wait3A_93 = tpu.memref_slice %arg7[%dma_wait3A_88, %dma_wait3A_90, %dma_wait3A_91, %dma_wait3A_92] : memref<2x8x8x129xf32, #tpu.memory_space<vmem>> -> memref<1x8x8x128xf32, #tpu.memory_space<vmem>>
    %dma_wait3A_94 = tpu.memref_squeeze %dma_wait3A_93 : memref<1x8x8x128xf32, #tpu.memory_space<vmem>> -> memref<8x8x128xf32, #tpu.memory_space<vmem>>
    %dma_wait3A_95 = arith.constant 0 : i32
    %dma_wait3A_96 = arith.constant 0 : i32
    %dma_wait3A_97 = arith.constant 0 : i32
    %dma_wait3A_98 = tpu.memref_slice %arg4[%dma_wait3A_89, %dma_wait3A_95, %add3A, %dma_wait3A_96, %dma_wait3A_97] : memref<200x8x32x8x128xf32, #tpu.memory_space<hbm>> -> memref<1x8x1x8x128xf32, #tpu.memory_space<hbm>>
    %dma_wait3A_99 = tpu.memref_squeeze %dma_wait3A_98 : memref<1x8x1x8x128xf32, #tpu.memory_space<hbm>> -> memref<8x8x128xf32, #tpu.memory_space<hbm>>
    %dma_wait3A_100 = arith.constant 0 : i32
    %dma_wait3A_101 = arith.constant 0 : i32
    %dma_wait3A_102 = arith.constant 0 : i32
    %dma_wait3A_103 = tpu.memref_slice %arg4[%dma_wait3A_89, %dma_wait3A_100, %add3A, %dma_wait3A_101, %dma_wait3A_102] : memref<200x8x32x8x128xf32, #tpu.memory_space<hbm>> -> memref<1x8x1x8x128xf32, #tpu.memory_space<hbm>>
    %dma_wait3A_104 = tpu.memref_squeeze %dma_wait3A_103 : memref<1x8x1x8x128xf32, #tpu.memory_space<hbm>> -> memref<8x8x128xf32, #tpu.memory_space<hbm>>
    %dma_wait3A_105 = arith.constant 0 : i32
    %dma_wait3A_106 = arith.constant 0 : i32
    %dma_wait3A_107 = arith.constant 0 : i32
    %dma_wait3A_108 = tpu.memref_slice %arg7[%dma_wait3A_88, %dma_wait3A_105, %dma_wait3A_106, %dma_wait3A_107] : memref<2x8x8x129xf32, #tpu.memory_space<vmem>> -> memref<1x8x8x128xf32, #tpu.memory_space<vmem>>
    %dma_wait3A_109 = tpu.memref_squeeze %dma_wait3A_108 : memref<1x8x8x128xf32, #tpu.memory_space<vmem>> -> memref<8x8x128xf32, #tpu.memory_space<vmem>>
    tpu.wait_dma2 semaphore(%arg12 : memref<!tpu.dma_semaphore, #tpu.memory_space<semaphore_mem>>) src(%dma_wait3A_109 : memref<8x8x128xf32, #tpu.memory_space<vmem>>) dst(%dma_wait3A_104 : memref<8x8x128xf32, #tpu.memory_space<hbm>>)
    return
  }
}

</mosaic_0001>

<sc_bundles>
// kernel: kernel.3.cloned.1.call-start
scs
__scs_entry_jumppad:
0x0: {  	(pc) =	sbr.rel $0x88, $3  }
0x1: {  	(tag) =	ssettag $0x0;
	lr =	simm.s32 $0x1  }
0x2: {  	[smem:$0x3F9F] =	sst lr;
	_ =	strace $0xD0000000  }
0x3: {  	_ = 	snop  }
0x4: {  	_ = 	snop  }
0x5: {  	_ = 	snop  }
0x6: {  	_ = 	snop  }
0x7: {  	_ = 	snop  }
__scs_overlays_trampoline_lowered:
0x8: {  	[smem:$0x3FAE] =	sst s0  }
0x9: {  	[smem:$0x3FAF] =	sst s1  }
0xa: {  	[smem:$0x3FB0] =	sst s2  }
0xb: {  	[smem:$0x3FB1] =	sst s3  }
0xc: {  	[smem:$0x3FB2] =	sst s4  }
0xd: {  	[smem:$0x3FB3] =	sst s5  }
0xe: {  	[smem:$0x3FB4] =	sst s6  }
0xf: {  	[smem:$0x3FB5] =	sst s7  }
0x10: {  	[smem:$0x3FB6] =	sst s8  }
0x11: {  	[smem:$0x3FB7] =	sst s9;
	s0 =	simm.s32 @!p0 $0x0  }
0x12: {  	s1 =	sld [smem:$0x3F9D];
	s0 =	simm.s32 @p0 $0x1  }
0x13: {  	[smem:$0x3FB8] =	sst s0;
	s0 =	simm.s32 @!p1 $0x0  }
0x14: {  	s2 =	sld [smem:$0x3F9C];
	s0 =	simm.s32 @p1 $0x1  }
0x15: {  	[smem:$0x3FB9] =	sst s0;
	s0 =	simm.s32 @!p2 $0x0  }
0x16: {  	s3 =	sld [smem:$0x3FDB];
	s0 =	simm.s32 @p2 $0x1  }
0x17: {  	s4 =	simm.s32 $0x1BF5;
	[smem:$0x3FBB] =	sst s0  }
0x18: {  	s0 =	sld [smem:$0x3F9E];
	_ =	swait.ge [sflag:s4], $0x0  }
0x19: {  	s7 =	sld [smem:$0x3F9F]  }
0x1a: {  	s8 =	sadd.s32 $0xFFFFE003, lr  }
0x1b: {  	s9 =	sadd.s32 $0xFFFFFEF7, lr;
	s5 =	simm.s32 $0xFFFFFFFF;
	p2 =	slt.u32 s8, $0xFFFFF086  }
0x1c: {  	p1 =	slt.u32 s9, $0xF7A;
	s5 =	simm.s32 @!p2 $0x0  }
0x1d: {  	s5 =	simm.s32 @p1 $0x1;
	p0 =	seq.s32 s7, s2  }
0x1e: {  	s7 =	smul.u32 @!p0 $0xF7A, s2;
	p2 =	seq.s32 @!p0 s5, $0x0  }
0x1f: {  	s9 =	smul.u32 $0xF7A, s1;
	s8 =	simm.s32 @!p0 $0x1BF5;
	p2 =	por !p2, p0  }
0x20: {  	[sflag:s8] =	ssyncset.s32 @!p0 $0xFFFFF086;
	s6 =	sadd.s32 @!p0 s3, s7;
	s7 =	simm.s32 @!p0 $0x108  }
0x21: {  	s3 =	sadd.s32 s3, s9;
	s6 =	sadd.s32 @!p0 $0x88, s6;
	s7 =	simm.s32 @p2 $0x1082  }
0x22: {  	[simem:s7], [sflag:s8] =	dma.local @!p0 [hbm:s6], $0xF7A  }
0x23: {  	s9 =	sor.u32 $0xD0000000, s2;
	s6 =	simm.s32 $0x108;
	_ =	swait.ge @!p0 [sflag:s8], $0x0  }
0x24: {  	s3 =	sadd.s32 $0x88, s3;
	s6 =	simm.s32 @!p1 $0x1082;
	[sflag:s4] =	ssyncset.s32 $0xFFFFF086  }
0x25: {  	[simem:s6], [sflag:s4] =	dma.local [hbm:s3], $0xF7A  }
0x26: {  	[smem:$0x3F9F] =	sst s1;
	(tag) =	ssettag s2;
	_ =	strace s9  }
0x27: {  	s1 =	sld [smem:$0x3FAF]  }
0x28: {  	s2 =	sld [smem:$0x3FB0]  }
0x29: {  	s4 =	sld [smem:$0x3FB2]  }
0x2a: {  	p0 =	seq.s32 s5, $0x0;
	s5 =	sld [smem:$0x3FB3]  }
0x2b: {  	s6 =	sld [smem:$0x3FB4]  }
0x2c: {  	s7 =	sld [smem:$0x3FB5]  }
0x2d: {  	s3 =	simm.s32 $0x108;
	s8 =	sld [smem:$0x3FB6]  }
0x2e: {  	s3 =	simm.s32 @!p0 $0x1082;
	s9 =	sld [smem:$0x3FB7]  }
0x2f: {  	lr =	sadd.s32 s0, s3;
	s0 =	sld [smem:$0x3FAE]  }
0x30: {  	s3 =	sld [smem:$0x3FB1]  }
0x31: {  	[smem:$0x3FBA] =	sst s10  }
0x32: {  	s10 =	sld [smem:$0x3FB8];
	_ =	sdelay $0x3  }
0x33: {  	p0 =	seq.s32 s10, $0x1;
	s10 =	sld [smem:$0x3FBA];
	_ =	sdelay $0x3  }
0x34: {  	[smem:$0x3FBA] =	sst s10  }
0x35: {  	s10 =	sld [smem:$0x3FB9];
	_ =	sdelay $0x3  }
0x36: {  	p1 =	seq.s32 s10, $0x1;
	s10 =	sld [smem:$0x3FBA];
	_ =	sdelay $0x3  }
0x37: {  	[smem:$0x3FBA] =	sst s10  }
0x38: {  	s10 =	sld [smem:$0x3FBB]  }
0x39: {  	_ = 	snop;
	(pc) =	sbr.ind lr, $3  }
0x3a: {  	_ = 	snop  }
0x3b: {  	_ = 	snop  }
0x3c: {  	p2 =	seq.s32 s10, $0x1;
	s10 =	sld [smem:$0x3FBA]  }
0x3d: {  	_ =	shalt  }
0x3e: {  	_ =	shalt  }
0x3f: {  	_ =	shalt  }
0x40: {  	_ =	shalt  }
0x41: {  	_ =	shalt  }
0x42: {  	_ =	shalt  }
0x43: {  	_ =	shalt  }
0x44: {  	_ =	shalt  }
0x45: {  	_ =	shalt  }
0x46: {  	_ =	shalt  }
0x47: {  	_ =	shalt  }
0x48: {  	_ =	shalt  }
0x49: {  	_ =	shalt  }
0x4a: {  	_ =	shalt  }
0x4b: {  	_ =	shalt  }
0x4c: {  	_ =	shalt  }
0x4d: {  	_ =	shalt  }
0x4e: {  	_ =	shalt  }
0x4f: {  	_ =	shalt  }
0x50: {  	_ =	shalt  }
0x51: {  	_ =	shalt  }
0x52: {  	_ =	shalt  }
0x53: {  	_ =	shalt  }
0x54: {  	_ =	shalt  }
0x55: {  	_ =	shalt  }
0x56: {  	_ =	shalt  }
0x57: {  	_ =	shalt  }
0x58: {  	_ =	shalt  }
0x59: {  	_ =	shalt  }
0x5a: {  	_ =	shalt  }
0x5b: {  	_ =	shalt  }
0x5c: {  	_ =	shalt  }
0x5d: {  	_ =	shalt  }
0x5e: {  	_ =	shalt  }
0x5f: {  	_ =	shalt  }
0x60: {  	_ =	shalt  }
0x61: {  	_ =	shalt  }
0x62: {  	_ =	shalt  }
0x63: {  	_ =	shalt  }
0x64: {  	_ =	shalt  }
0x65: {  	_ =	shalt  }
0x66: {  	_ =	shalt  }
0x67: {  	_ =	shalt  }
0x68: {  	_ =	shalt  }
0x69: {  	_ =	shalt  }
0x6a: {  	_ =	shalt  }
0x6b: {  	_ =	shalt  }
0x6c: {  	_ =	shalt  }
0x6d: {  	_ =	shalt  }
0x6e: {  	_ =	shalt  }
0x6f: {  	_ =	shalt  }
0x70: {  	_ =	shalt  }
0x71: {  	_ =	shalt  }
0x72: {  	_ =	shalt  }
0x73: {  	_ =	shalt  }
0x74: {  	_ =	shalt  }
0x75: {  	_ =	shalt  }
0x76: {  	_ =	shalt  }
0x77: {  	_ =	shalt  }
0x78: {  	_ =	shalt  }
0x79: {  	_ =	shalt  }
0x7a: {  	_ =	shalt  }
0x7b: {  	_ =	shalt  }
0x7c: {  	_ =	shalt  }
0x7d: {  	_ =	shalt  }
0x7e: {  	_ =	shalt  }
0x7f: {  	_ =	shalt  }
0x80: {  	_ =	shalt  }
0x81: {  	_ =	shalt  }
0x82: {  	_ =	shalt  }
0x83: {  	_ =	shalt  }
0x84: {  	_ =	shalt  }
0x85: {  	_ =	shalt  }
0x86: {  	_ =	shalt  }
0x87: {  	_ =	shalt  }
.Lfunc_end0:
.L_simem_size_0:
called_computation_lowered:
.L_overlay_start_0:
0x88: {  	s2 =	sld [smem:$0x3FD9]  }
0x89: {  	s3 =	sld [smem:$0x3FFE];
	_ =	sdelay $0x1  }
0x8a: {  	s1 =	srdreg.scid  }
0x8b: {  	s0 =	sand.u32 $0x1, s1  }
0x8c: {  	s17 =	sshll.u32 s0, $0xA;
	s2 =	sadd.s32 s3, s2  }
0x8d: {  	s2 =	sadd.s32 s2, s17  }
0x8e: {  	[smem:$0x3FC6] =	sst s2  }
0x8f: {  	_ = 	snop  }
0x90: {  	s2 =	sld [smem:$0x3FD0];
	(tm) =	ssettm $0x1  }
0x91: {  	s18 =	sld [smem:$0x3FFB];
	_ =	sdelay $0x3  }
0x92: {  	_ =	strace s18  }
0x93: {  	s3 =	sld [smem:$0x3FFC];
	_ =	sdelay $0x3  }
0x94: {  	_ =	strace s3  }
0x95: {  	s3 =	sld [smem:$0x3FFD];
	_ =	sdelay $0x3  }
0x96: {  	_ =	strace s3  }
0x97: {  	_ =	strace $0x8FFFFFFF  }
0x98: {  	s19 =	sld [smem:$0x3FDB];
	_ =	sdelay $0x1  }
0x99: {  	s4 =	simm.s32 $_scs_section_size  }
0x9a: {  	s5 =	simm.s32 $_size__tile_overlayer_lowered;
	s6 =	simm.s32 $_tile_overlayer_lowered  }
0x9b: {  	s22 =	simm.s32 $0x1BFF;
	s21 =	sshll.u32 s6, $0x1;
	s3 =	sadd.s32 s4, s19  }
0x9c: {  	s7 =	simm.s32 $0x0;
	s20 =	sshll.u32 s5, $0x1;
	s5 =	sadd.s32 s21, s3  }
0x9d: {  	[timem:s7], [sflag:s22] =	dma.local [hbm:s5], s20  }
0x9e: {  	_ =	swait.ge [sflag:s22], s20  }
0x9f: {  	s4 =	ssub.s32 $0x0, s20;
	[sflag:s22] =	ssyncset.done $0x0  }
0xa0: {  	[sflag:s22] =	ssyncadd.s32 s4;
	_ =	sdelay $0x1  }
0xa1: {  	s23 =	simm.s32 $0x1B8B  }
0xa2: {  	_ =	swait.ge [sflag:s23], $0x1  }
0xa3: {  	[sflag:s23] =	ssyncset.done $0x0  }
0xa4: {  	s25 =	simm.s32 $0x1B8E;
	s24 =	sld [smem:$0x3FFE];
	[sflag:s23] =	ssyncadd.s32 $0xFFFFFFFF  }
0xa5: {  	s26 =	simm.s32 $execute0_lowered;
	[smem:$0x3FD2] =	sst s25  }
0xa6: {  	s5 =	sshll.u32 s26, $0x1;
	_ =	strace $0x80000046;
	[dreg:$0x1] =	wrdreg $0xFFFFFFFF  }
0xa7: {  	s28 =	simm.s32 $_size_execute0_lowered;
	s3 =	sadd.s32 s3, s5;
	[dreg:$0x0] =	wrdreg $0x0  }
0xa8: {  	s5 =	sshll.u32 s28, $0x1;
	[dreg:$0x2] =	wrdreg s3  }
0xa9: {  	[dreg:$0x3] =	wrdreg s5  }
0xaa: {  	[dreg:$0x4] =	wrdreg $0xC0  }
0xab: {  	_ =	task [dreg:s7], $0x5FFFF  }
0xac: {  	[dreg:$0x1] =	wrdreg $0xFFFFFFFF  }
0xad: {  	[dreg:$0x0] =	wrdreg $0x60  }
0xae: {  	[dreg:$0x2] =	wrdreg s24  }
0xaf: {  	[dreg:$0x3] =	wrdreg s2  }
0xb0: {  	[dreg:$0x4] =	wrdreg $0xE8000  }
0xb1: {  	[dreg:$0x5] =	wrdreg $0x9  }
0xb2: {  	_ =	task.clear_ibuf [dreg:s7], $0x6FFFF;
	_ =	strace $0x90000046  }
0xb3: {  	s29 =	simm.s32 $0x9;
	_ =	strace $0x80000048  }
0xb4: {  	_ =	swait.ge [sflag:s29], $0x1  }
0xb5: {  	[sflag:s29] =	ssyncadd.s32 $0xFFFFFFFF  }
0xb6: {  	_ =	strace $0x90000048  }
0xb7: {  	_ =	sfence  }
0xb8: {  	s30 =	sld [smem:$0x0];
	_ =	sdelay $0x2  }
0xb9: {  	s31 =	sshll.u32 s1, $0xD;
	s1 =	sshrl.u32 s1, $0x2  }
0xba: {  	s3 =	sand.u32 $0x4000, s31;
	s1 =	sadd.s32 s1, s30  }
0xbb: {  	s0 =	sor.u32 s3, s0;
	s1 =	sshll.u32 s1, $0x11  }
0xbc: {  	s0 =	sor.u32 s1, s0  }
0xbd: {  	s0 =	sadd.s32 $0x8F2B, s0  }
0xbe: {  	[sflag:s0] =	ssyncadd.remote.s32 $0x1  }
0xbf: {  	_ =	sfence.sel $0xFFFF  }
0xc0: {  	[dreg:$0x0] =	wrdreg $0xFFFFFFFF;
	(pc) =	sbr.abs _section_cstart, $3  }
0xc1: {  	[dreg:$0x1] =	wrdreg $0xFFFFFFFF  }
0xc2: {  	_ =	task.clear_ibuf [dreg:s7], $0x2FFFF;
	_ =	strace $0x9FFFFFFF  }
0xc3: {  	(tm) =	ssettm $0x7FFFFFFF  }
tec
execute0_lowered:
.L_overlay_start_1:
0x0: {  	(tag) =	ssettag $0x1  }
0x1: {  	s0 =	rddreg [dreg:$0x0]  }
0x2: {  	s1 =	rddreg [dreg:$0x1]  }
0x3: {  	s2 =	rddreg [dreg:$0x2];
	s4 =	srdreg.scid  }
0x4: {  	s6 =	stileid.u32;
	s3 =	simm.s32 $0x0;
	s9 =	simm.s32 $0x80  }
0x5: {  	s11 =	simm.s32 $0x5;
	s12 =	simm.s32 $0x6400;
	s13 =	simm.s32 $0x8400  }
0x6: {  	s14 =	simm.s32 $0x1;
	s15 =	simm.s32 $0xA400;
	s16 =	simm.s32 $0x2  }
0x7: {  	s17 =	simm.s32 $0x4;
	s18 =	simm.s32 $0xC600;
	s19 =	simm.s32 $0x3  }
0x8: {  	s20 =	simm.s32 $0x0;
	s4 =	sand.u32 $0x1, s4;
	s5 =	sshll.u32 s6, $0x1  }
0x9: {  	[smem:$0x7FF] =	sst s3;
	p0 =	sne.s32 s6, $0x0;
	s7 =	sor.u32 s4, s5  }
0xa: {  	v0 =	vlaneseq.u32;
	_ =	strace $0x80000047;
	s8 =	ssub.s32 $0x2, s4;
	s5 =	sshll.u32 s7, $0x4  }
0xb: {  	v0 =	vmul.u32 $0x88, v0;
	s31 =	sshrl.u32 s8, $0x1;
	s5 =	sadd.s32 s5, s0;
	s0 =	sadd.s32 $0x600, s0  }
0xc: {  	s6 =	sshll.u32 s7, $0xA;
	[dreg:$0x4] =	wrdreg s0;
	s0 =	ssub.s32 s8, s31  }
0xd: {  	v1 =	vadd.s32 $0x880, v0;
	v2 =	vadd.s32 $0x1100, v0;
	v3 =	vadd.s32 $0x1980, v0;
	s5 =	sadd.s32 $0x8600, s5;
	s8 =	sshrl.u32 @!p0 s2, $0x3;
	s7 =	smax.u32 s0, $0x1  }
.LBB2_1:
0xe: {  	s0 =	simm.s32 @!p0 $0x1C05;
	s4 =	rddreg [dreg:$0x4]  }
0xf: {  	[spmem:s8], [sflag:s0] =	dma.local @!p0 [hbm:s4], $0x8000  }
0x10: {  	s0 =	simm.s32 @!p0 $0x5  }
0x11: {  	_ =	swait.ge @!p0 [sflag:s0], $0x8000  }
0x12: {  	[sflag:s0] =	ssyncset.done @!p0 $0x0  }
0x13: {  	s31 =	simm.s32 $0x1000;
	[sflag:s0] =	ssyncadd.s32 @!p0 $0xFFFF8000  }
0x14: {  	[tilespmem:s3], [sflag:$0x5] =	stream.strided.gather [hbm4b:s5+s9], $0x6400, s31, s9, $0x38;
	[tilespmem:$0x12800] =	vst v63  }
0x15: {  	_ =	swait.ge [sflag:s11], $0x6400  }
0x16: {  	[sflag:s11] =	ssyncset.done $0x0  }
0x17: {  	[sflag:s11] =	ssyncadd.s32 $0xFFFF9C00  }
0x18: {  	s21 =	simm.s32 $0x0;
	[bflag:$0x0] =	sbarrier.arrive $0xFFFF  }
0x19: {  	[tilespmem:s12], [sflag:$0x1] =	stream.indirect.gather [spmem:s2], $0x40, s3, s9, $0xb8;
	[tilespmem:$0x12800] =	vst v63  }
.LBB2_2:
0x1a: {  	s22 =	sshllo.u32 s21, $0x1  }
0x1b: {  	s0 =	sshll.u32 s22, $0x7  }
0x1c: {  	s0 =	sand.u32 $0x3FFFFF80, s0  }
0x1d: {  	[tilespmem:s13], [sflag:$0x2] =	stream.indirect.gather [spmem:s2], $0x40, s0, s9, $0xb8;
	[tilespmem:$0x12800] =	vst v63  }
0x1e: {  	_ =	swait.ge [sflag:s14], $0x2000  }
0x1f: {  	p1 =	seq.s32 s21, $0x0;
	[sflag:s14] =	ssyncset.done $0x0  }
0x20: {  	s0 =	simm.s32 @!p1 $0x3;
	[sflag:s14] =	ssyncadd.s32 $0xFFFFE000  }
0x21: {  	s10 =	simm.s32 $0x0;
	_ =	swait.ge @!p1 [sflag:s0], $0x2000  }
0x22: {  	v4 =	vmov s10;
	[sflag:s0] =	ssyncset.done @!p1 $0x0  }
0x23: {  	s30 =	simm.s32 $0x6440;
	v4 =	vand.u32 $0x7E, v4;
	[sflag:s0] =	ssyncadd.s32 @!p1 $0xFFFFE000  }
0x24: {  	v6 =	vadd.s32 v0, v4;
	v5 =	vld [tilespmem:s30+$0xFFFFFFC0];
	_ =	sdelay $0x4  }
0x25: {  	s23 =	simm.s32 $0x2;
	[tilespmem:v6+s15+$0x0] =	vst.idx.msk $0xffff, v5  }
0x26: {  	v7 =	vadd.s32 v1, v4;
	v5 =	vmov s23;
	v6 =	vld [tilespmem:s30+$0xFFFFFFD0]  }
0x27: {  	s23 =	simm.s32 $0x64C0;
	v5 =	vand.u32 $0x7E, v5  }
0x28: {  	v8 =	vld [tilespmem:s23+$0xFFFFFFC0];
	v9 =	vadd.s32 v0, v5;
	_ =	sdelay $0x2  }
0x29: {  	[tilespmem:v7+s15+$0x0] =	vst.idx.msk $0xffff, v6  }
0x2a: {  	v7 =	vadd.s32 v2, v4;
	v6 =	vld [tilespmem:s30+$0xFFFFFFE0]  }
0x2b: {  	s24 =	simm.s32 $0x4;
	[tilespmem:v9+s15+$0x0] =	vst.idx.msk $0xffff, v8  }
0x2c: {  	v10 =	vadd.s32 v1, v5;
	v8 =	vmov s24;
	v9 =	vld [tilespmem:s23+$0xFFFFFFD0]  }
0x2d: {  	s24 =	simm.s32 $0x6540;
	v8 =	vand.u32 $0x7E, v8  }
0x2e: {  	v11 =	vld [tilespmem:s24+$0xFFFFFFC0];
	v12 =	vadd.s32 v0, v8  }
0x2f: {  	[tilespmem:v7+s15+$0x0] =	vst.idx.msk $0xffff, v6  }
0x30: {  	v4 =	vadd.s32 v3, v4;
	v6 =	vld [tilespmem:s30+$0xFFFFFFF0]  }
0x31: {  	[tilespmem:v10+s15+$0x0] =	vst.idx.msk $0xffff, v9  }
0x32: {  	s25 =	simm.s32 $0x6;
	v9 =	vadd.s32 v2, v5;
	v7 =	vld [tilespmem:s23+$0xFFFFFFE0]  }
0x33: {  	s26 =	simm.s32 $0x1;
	v10 =	vmov s25;
	[tilespmem:v12+s15+$0x0] =	vst.idx.msk $0xffff, v11  }
0x34: {  	v13 =	vmov s26;
	s25 =	simm.s32 $0x65C0;
	v12 =	vadd.s32 v1, v8;
	v10 =	vand.u32 $0x7E, v10;
	v11 =	vld [tilespmem:s24+$0xFFFFFFD0]  }
0x35: {  	v13 =	vand.u32 $0x7F, v13;
	[tilespmem:v4+s15+$0x0] =	vst.idx.msk $0xffff, v6;
	v4 =	vld [tilespmem:s25+$0xFFFFFFC0];
	v6 =	vadd.s32 v0, v10  }
0x36: {  	v15 =	vadd.s32 v0, v13;
	v14 =	vld [tilespmem:s30+$0x0]  }
0x37: {  	[tilespmem:v9+s15+$0x0] =	vst.idx.msk $0xffff, v7  }
0x38: {  	v5 =	vadd.s32 v3, v5;
	v7 =	vld [tilespmem:s23+$0xFFFFFFF0]  }
0x39: {  	[tilespmem:v12+s15+$0x0] =	vst.idx.msk $0xffff, v11  }
0x3a: {  	s29 =	simm.s32 $0x8;
	v11 =	vadd.s32 v2, v8;
	v9 =	vld [tilespmem:s24+$0xFFFFFFE0];
	[tilespmem:v6+s15+$0x0] =	vst.idx.msk $0xffff, v4  }
0x3b: {  	s4 =	simm.s32 $0x3;
	v16 =	vadd.s32 v1, v10;
	v4 =	vmov s29;
	v12 =	vld [tilespmem:s25+$0xFFFFFFD0];
	[tilespmem:v15+s15+$0x0] =	vst.idx.msk $0xffff, v14  }
0x3c: {  	s26 =	simm.s32 $0x6640;
	v6 =	vand.u32 $0x7E, v4;
	v4 =	vmov s4;
	v15 =	vadd.s32 v1, v13;
	v14 =	vld [tilespmem:s30+$0x10]  }
0x3d: {  	[tilespmem:v5+s15+$0x0] =	vst.idx.msk $0xffff, v7;
	v5 =	vld [tilespmem:s26+$0xFFFFFFC0];
	v7 =	vadd.s32 v0, v6;
	v4 =	vand.u32 $0x7F, v4  }
0x3e: {  	v17 =	vld [tilespmem:s23+$0x0];
	v18 =	vadd.s32 v0, v4  }
0x3f: {  	[tilespmem:v11+s15+$0x0] =	vst.idx.msk $0xffff, v9  }
0x40: {  	v8 =	vadd.s32 v3, v8;
	v9 =	vld [tilespmem:s24+$0xFFFFFFF0];
	[tilespmem:v16+s15+$0x0] =	vst.idx.msk $0xffff, v12  }
0x41: {  	v16 =	vadd.s32 v2, v10;
	v12 =	vld [tilespmem:s25+$0xFFFFFFE0];
	[tilespmem:v15+s15+$0x0] =	vst.idx.msk $0xffff, v14  }
0x42: {  	s31 =	simm.s32 $0xA;
	[tilespmem:v7+s15+$0x0] =	vst.idx.msk $0xffff, v5;
	v14 =	vadd.s32 v2, v13;
	v7 =	vld [tilespmem:s30+$0x20]  }
0x43: {  	s10 =	simm.s32 $0x5;
	v19 =	vadd.s32 v1, v6;
	v5 =	vmov s31;
	v15 =	vld [tilespmem:s26+$0xFFFFFFD0];
	[tilespmem:v18+s15+$0x0] =	vst.idx.msk $0xffff, v17  }
0x44: {  	s28 =	simm.s32 $0x66C0;
	v11 =	vand.u32 $0x7E, v5;
	v5 =	vmov s10;
	v18 =	vadd.s32 v1, v4;
	v17 =	vld [tilespmem:s23+$0x10]  }
0x45: {  	[tilespmem:v8+s15+$0x0] =	vst.idx.msk $0xffff, v9;
	v9 =	vld [tilespmem:s28+$0xFFFFFFC0];
	v20 =	vadd.s32 v0, v11;
	v5 =	vand.u32 $0x7F, v5  }
0x46: {  	[tilespmem:v16+s15+$0x0] =	vst.idx.msk $0xffff, v12;
	v12 =	vld [tilespmem:s24+$0x0];
	v16 =	vadd.s32 v0, v5  }
0x47: {  	v22 =	vadd.s32 v3, v10;
	v21 =	vld [tilespmem:s25+$0xFFFFFFF0];
	[tilespmem:v14+s15+$0x0] =	vst.idx.msk $0xffff, v7  }
0x48: {  	v10 =	vadd.s32 v3, v13;
	[tilespmem:v19+s15+$0x0] =	vst.idx.msk $0xffff, v15;
	v8 =	vld [tilespmem:s30+$0x30]  }
0x49: {  	v15 =	vadd.s32 v2, v6;
	v14 =	vld [tilespmem:s26+$0xFFFFFFE0];
	[tilespmem:v18+s15+$0x0] =	vst.idx.msk $0xffff, v17  }
0x4a: {  	s0 =	simm.s32 $0xC;
	[tilespmem:v20+s15+$0x0] =	vst.idx.msk $0xffff, v9;
	v9 =	vadd.s32 v2, v4;
	v7 =	vld [tilespmem:s23+$0x20]  }
0x4b: {  	s4 =	simm.s32 $0x7;
	v13 =	vmov s0;
	v18 =	vadd.s32 v1, v11;
	v17 =	vld [tilespmem:s28+$0xFFFFFFD0];
	[tilespmem:v16+s15+$0x0] =	vst.idx.msk $0xffff, v12  }
0x4c: {  	s10 =	simm.s32 $0xE;
	v19 =	vmov s4;
	s30 =	simm.s32 $0x6740;
	v16 =	vand.u32 $0x7E, v13;
	v13 =	vadd.s32 v1, v5;
	[tilespmem:v22+s15+$0x0] =	vst.idx.msk $0xffff, v21;
	v12 =	vld [tilespmem:s24+$0x10]  }
.LBB2_3:
0x4d: {  	p2 =	slt.u32 s10, $0x7E;
	v20 =	vld [tilespmem:s30+$0xFFFFFFC0];
	v21 =	vadd.s32 v0, v16;
	v19 =	vand.u32 $0x7F, v19;
	[tilespmem:v10+s15+$0x0] =	vst.idx.msk $0xffff, v8  }
0x4e: {  	[tilespmem:v15+s15+$0x0] =	vst.idx.msk $0xffff, v14;
	v22 =	vld [tilespmem:s25+$0x0];
	v23 =	vadd.s32 v0, v19  }
0x4f: {  	v25 =	vadd.s32 v3, v6;
	v6 =	vmov v11;
	v11 =	vmov v16;
	v24 =	vld [tilespmem:s26+$0xFFFFFFF0];
	[tilespmem:v9+s15+$0x0] =	vst.idx.msk $0xffff, v7  }
.Ltmp0:
0x50: {  	v10 =	vadd.s32 v3, v4;
	v4 =	vmov v5;
	v5 =	vmov v19;
	[tilespmem:v18+s15+$0x0] =	vst.idx.msk $0xffff, v17;
	v8 =	vld [tilespmem:s23+$0x30];
	s23 =	smov.u32 s24;
	s24 =	smov.u32 s25;
	(pc) =	sbr.rel @p2 .LBB2_3-.Ltmp0, $4  }
0x51: {  	v15 =	vadd.s32 v2, v6;
	s25 =	smov.u32 s26;
	s26 =	smov.u32 s28;
	v14 =	vld [tilespmem:s28+$0xFFFFFFE0];
	[tilespmem:v13+s15+$0x0] =	vst.idx.msk $0xffff, v12;
	s28 =	smov.u32 s30  }
0x52: {  	v9 =	vadd.s32 v2, v4;
	[tilespmem:v21+s15+$0x0] =	vst.idx.msk $0xffff, v20;
	v7 =	vld [tilespmem:s23+$0x20]  }
0x53: {  	s4 =	sadd.s32 $0x1, s29;
	s29 =	smov.u32 s31;
	s31 =	smov.u32 s0;
	v18 =	vadd.s32 v1, v11;
	v12 =	vmov s10;
	v17 =	vld [tilespmem:s30+$0xFFFFFFD0];
	[tilespmem:v23+s15+$0x0] =	vst.idx.msk $0xffff, v22  }
0x54: {  	s0 =	smov.u32 s10;
	v19 =	vmov s4;
	v13 =	vadd.s32 v1, v5;
	s10 =	sadd.s32 $0x2, s10;
	v16 =	vand.u32 $0x7E, v12;
	s30 =	sadd.s32 $0x80, s30;
	[tilespmem:v25+s15+$0x0] =	vst.idx.msk $0xffff, v24;
	v12 =	vld [tilespmem:s24+$0x10]  }
0x55: {  	v20 =	vld [tilespmem:s30+$0xFFFFFFC0];
	v21 =	vadd.s32 v0, v16;
	_ =	sdelay $0x4  }
0x56: {  	[tilespmem:v21+s15+$0x0] =	vst.idx.msk $0xffff, v20  }
0x57: {  	v29 =	vadd.s32 v1, v16;
	v20 =	vld [tilespmem:s30+$0xFFFFFFD0];
	_ =	sdelay $0x3  }
0x58: {  	[tilespmem:v18+s15+$0x0] =	vst.idx.msk $0xffff, v17  }
0x59: {  	v30 =	vadd.s32 v2, v11;
	v17 =	vld [tilespmem:s28+$0xFFFFFFE0];
	[tilespmem:v29+s15+$0x0] =	vst.idx.msk $0xffff, v20  }
0x5a: {  	v31 =	vadd.s32 v2, v16;
	v20 =	vld [tilespmem:s30+$0xFFFFFFE0];
	_ =	sdelay $0x2  }
0x5b: {  	[tilespmem:v15+s15+$0x0] =	vst.idx.msk $0xffff, v14  }
0x5c: {  	v6 =	vadd.s32 v3, v6;
	v14 =	vld [tilespmem:s26+$0xFFFFFFF0];
	[tilespmem:v30+s15+$0x0] =	vst.idx.msk $0xffff, v17  }
0x5d: {  	v33 =	vadd.s32 v3, v11;
	v32 =	vld [tilespmem:s28+$0xFFFFFFF0];
	[tilespmem:v31+s15+$0x0] =	vst.idx.msk $0xffff, v20  }
0x5e: {  	v35 =	vadd.s32 v3, v16;
	v34 =	vld [tilespmem:s30+$0xFFFFFFF0]  }
0x5f: {  	s4 =	sadd.s32 $0x1, s29  }
0x60: {  	v36 =	vand.u32 $0x7F, v19;
	s10 =	sadd.s32 $0x1, s31;
	v37 =	vmov s4  }
0x61: {  	v38 =	vld [tilespmem:s25+$0x0];
	s0 =	sadd.s32 $0x1, s0;
	v39 =	vadd.s32 v0, v36;
	v41 =	vmov s10;
	v40 =	vand.u32 $0x7F, v37;
	[tilespmem:v6+s15+$0x0] =	vst.idx.msk $0xffff, v14  }
0x62: {  	v44 =	vmov s0;
	v43 =	vand.u32 $0x7F, v41;
	v22 =	vadd.s32 v0, v40;
	v42 =	vld [tilespmem:s26+$0x0];
	[tilespmem:v33+s15+$0x0] =	vst.idx.msk $0xffff, v32  }
0x63: {  	v23 =	vadd.s32 v0, v43;
	v14 =	vand.u32 $0x7F, v44;
	v15 =	vld [tilespmem:s28+$0x0];
	[tilespmem:v35+s15+$0x0] =	vst.idx.msk $0xffff, v34  }
0x64: {  	v45 =	vadd.s32 v0, v14;
	v16 =	vld [tilespmem:s30+$0x0];
	_ =	sdelay $0x1  }
0x65: {  	[tilespmem:v39+s15+$0x0] =	vst.idx.msk $0xffff, v38  }
0x66: {  	v47 =	vadd.s32 v1, v36;
	v46 =	vld [tilespmem:s25+$0x10];
	[tilespmem:v22+s15+$0x0] =	vst.idx.msk $0xffff, v42  }
0x67: {  	v49 =	vadd.s32 v1, v40;
	v48 =	vld [tilespmem:s26+$0x10];
	[tilespmem:v23+s15+$0x0] =	vst.idx.msk $0xffff, v15  }
0x68: {  	v51 =	vadd.s32 v1, v43;
	v50 =	vld [tilespmem:s28+$0x10];
	[tilespmem:v45+s15+$0x0] =	vst.idx.msk $0xffff, v16  }
0x69: {  	[tilespmem:v10+s15+$0x0] =	vst.idx.msk $0xffff, v8;
	v53 =	vadd.s32 v1, v14;
	v52 =	vld [tilespmem:s30+$0x10]  }
0x6a: {  	[tilespmem:v13+s15+$0x0] =	vst.idx.msk $0xffff, v12  }
0x6b: {  	v54 =	vadd.s32 v2, v5;
	v12 =	vld [tilespmem:s24+$0x20];
	[tilespmem:v47+s15+$0x0] =	vst.idx.msk $0xffff, v46  }
0x6c: {  	v55 =	vadd.s32 v2, v36;
	v19 =	vld [tilespmem:s25+$0x20];
	[tilespmem:v49+s15+$0x0] =	vst.idx.msk $0xffff, v48  }
0x6d: {  	v56 =	vadd.s32 v2, v40;
	v15 =	vld [tilespmem:s26+$0x20];
	[tilespmem:v51+s15+$0x0] =	vst.idx.msk $0xffff, v50  }
0x6e: {  	v57 =	vadd.s32 v2, v43;
	v16 =	vld [tilespmem:s28+$0x20];
	[tilespmem:v53+s15+$0x0] =	vst.idx.msk $0xffff, v52  }
0x6f: {  	[tilespmem:v9+s15+$0x0] =	vst.idx.msk $0xffff, v7;
	v59 =	vadd.s32 v2, v14;
	v58 =	vld [tilespmem:s30+$0x20]  }
0x70: {  	v4 =	vadd.s32 v3, v4;
	v9 =	vld [tilespmem:s23+$0x30];
	[tilespmem:v54+s15+$0x0] =	vst.idx.msk $0xffff, v12  }
0x71: {  	v5 =	vadd.s32 v3, v5;
	v60 =	vld [tilespmem:s24+$0x30];
	[tilespmem:v55+s15+$0x0] =	vst.idx.msk $0xffff, v19  }
0x72: {  	v62 =	vadd.s32 v3, v36;
	v61 =	vld [tilespmem:s25+$0x30];
	[tilespmem:v56+s15+$0x0] =	vst.idx.msk $0xffff, v15  }
0x73: {  	v6 =	vadd.s32 v3, v40;
	v15 =	vld [tilespmem:s26+$0x30];
	[tilespmem:v57+s15+$0x0] =	vst.idx.msk $0xffff, v16  }
0x74: {  	v11 =	vadd.s32 v3, v43;
	v16 =	vld [tilespmem:s28+$0x30];
	[tilespmem:v59+s15+$0x0] =	vst.idx.msk $0xffff, v58  }
0x75: {  	[tilespmem:v4+s15+$0x0] =	vst.idx.msk $0xffff, v9;
	v63 =	vadd.s32 v3, v14;
	v4 =	vld [tilespmem:s30+$0x30]  }
0x76: {  	[tilespmem:v5+s15+$0x0] =	vst.idx.msk $0xffff, v60  }
0x77: {  	[tilespmem:v62+s15+$0x0] =	vst.idx.msk $0xffff, v61;
	s26 =	sshll.u32 s21, $0x13  }
0x78: {  	s0 =	sor.u32 s6, s26;
	[tilespmem:v6+s15+$0x0] =	vst.idx.msk $0xffff, v15  }
0x79: {  	s0 =	sshrl.u32 s0, $0x3;
	[tilespmem:v11+s15+$0x0] =	vst.idx.msk $0xffff, v16  }
0x7a: {  	s4 =	sadd.s32 s1, s0;
	s28 =	simm.s32 $0xA400;
	[tilespmem:v63+s15+$0x0] =	vst.idx.msk $0xffff, v4  }
0x7b: {  	[hbm4b:s4+s3] =	stream.linear.scatter [tilespmem:s28], [sflag:$0x3], $0x80, $0x38;
	[tilespmem:$0x12800] =	vst v63  }
0x7c: {  	s29 =	simm.s32 $0xA488;
	s10 =	sadd.s32 $0x10, s4  }
0x7d: {  	[hbm4b:s10+s3] =	stream.linear.scatter [tilespmem:s29], [sflag:$0x3], $0x80, $0x38;
	[tilespmem:$0x12800] =	vst v63  }
0x7e: {  	s23 =	simm.s32 $0xA598;
	s31 =	sadd.s32 $0x20, s4;
	s30 =	simm.s32 $0xA510  }
0x7f: {  	[hbm4b:s31+s3] =	stream.linear.scatter [tilespmem:s30], [sflag:$0x3], $0x80, $0x38;
	[tilespmem:$0x12800] =	vst v63  }
0x80: {  	s25 =	simm.s32 $0xA620;
	s0 =	simm.s32 $0x440;
	s24 =	sadd.s32 $0x30, s4  }
0x81: {  	[hbm4b:s24+s3] =	stream.linear.scatter [tilespmem:s23], [sflag:$0x3], $0x80, $0x38;
	[tilespmem:$0x12800] =	vst v63  }
0x82: {  	s26 =	sadd.s32 $0x40, s4;
	s28 =	simm.s32 $0xA6A8;
	s29 =	sadd.s32 $0x50, s4  }
0x83: {  	[hbm4b:s26+s3] =	stream.linear.scatter [tilespmem:s25], [sflag:$0x3], $0x80, $0x38;
	[tilespmem:$0x12800] =	vst v63  }
0x84: {  	s10 =	simm.s32 $0x2200;
	s30 =	simm.s32 $0xA730;
	s31 =	sadd.s32 $0x60, s4  }
0x85: {  	[hbm4b:s29+s3] =	stream.linear.scatter [tilespmem:s28], [sflag:$0x3], $0x80, $0x38;
	[tilespmem:$0x12800] =	vst v63  }
0x86: {  	s24 =	simm.s32 $0xA7B8;
	s23 =	sadd.s32 $0x1000, s4;
	s25 =	sadd.s32 $0x70, s4  }
0x87: {  	[hbm4b:s31+s3] =	stream.linear.scatter [tilespmem:s30], [sflag:$0x3], $0x80, $0x38;
	[tilespmem:$0x12800] =	vst v63  }
.LBB2_5:
0x88: {  	[hbm4b:s25+s3] =	stream.linear.scatter [tilespmem:s24], [sflag:$0x3], $0x80, $0x38;
	[tilespmem:$0x12800] =	vst v63  }
0x89: {  	s4 =	smov.u32 s0;
	s0 =	smov.u32 s10  }
0x8a: {  	s26 =	sadd.s32 $0x1100, s10;
	s0 =	sshra.s32 s0, $0x2;
	s24 =	sadd.s32 $0xA400, s4  }
0x8b: {  	[hbm4b:s23+s3] =	stream.linear.scatter [tilespmem:s24], [sflag:$0x3], $0x80, $0x38;
	[tilespmem:$0x12800] =	vst v63  }
0x8c: {  	p2 =	sne.s32 s10, $0x7700;
	s10 =	sadd.s32 $0xA488, s4;
	s24 =	sadd.s32 $0x10, s23  }
0x8d: {  	[hbm4b:s24+s3] =	stream.linear.scatter [tilespmem:s10], [sflag:$0x3], $0x80, $0x38;
	[tilespmem:$0x12800] =	vst v63  }
0x8e: {  	s10 =	sadd.s32 $0xA510, s4;
	s24 =	sadd.s32 $0x20, s23  }
0x8f: {  	[hbm4b:s24+s3] =	stream.linear.scatter [tilespmem:s10], [sflag:$0x3], $0x80, $0x38;
	[tilespmem:$0x12800] =	vst v63  }
0x90: {  	s10 =	sadd.s32 $0xA598, s4;
	s24 =	sadd.s32 $0x30, s23  }
0x91: {  	[hbm4b:s24+s3] =	stream.linear.scatter [tilespmem:s10], [sflag:$0x3], $0x80, $0x38;
	[tilespmem:$0x12800] =	vst v63  }
0x92: {  	s10 =	sadd.s32 $0xA620, s4;
	s24 =	sadd.s32 $0x40, s23  }
0x93: {  	[hbm4b:s24+s3] =	stream.linear.scatter [tilespmem:s10], [sflag:$0x3], $0x80, $0x38;
	[tilespmem:$0x12800] =	vst v63  }
.Ltmp1:
0x94: {  	s10 =	sadd.s32 $0xA6A8, s4;
	s24 =	sadd.s32 $0x50, s23;
	(pc) =	sbr.rel @p2 .LBB2_5-.Ltmp1, $4  }
0x95: {  	[hbm4b:s24+s3] =	stream.linear.scatter [tilespmem:s10], [sflag:$0x3], $0x80, $0x38;
	[tilespmem:$0x12800] =	vst v63  }
0x96: {  	s25 =	sadd.s32 $0x70, s23;
	s10 =	sadd.s32 $0xA730, s4;
	s24 =	sadd.s32 $0x60, s23  }
0x97: {  	[hbm4b:s24+s3] =	stream.linear.scatter [tilespmem:s10], [sflag:$0x3], $0x80, $0x38;
	[tilespmem:$0x12800] =	vst v63  }
0x98: {  	s23 =	sadd.s32 $0x1000, s23;
	s24 =	sadd.s32 $0xA7B8, s4;
	s10 =	smov.u32 s26  }
0x99: {  	[hbm4b:s25+s3] =	stream.linear.scatter [tilespmem:s24], [sflag:$0x3], $0x80, $0x38;
	[tilespmem:$0x12800] =	vst v63  }
0x9a: {  	s4 =	sadd.s32 $0xA400, s0  }
0x9b: {  	[hbm4b:s23+s3] =	stream.linear.scatter [tilespmem:s4], [sflag:$0x3], $0x80, $0x38;
	[tilespmem:$0x12800] =	vst v63  }
0x9c: {  	s26 =	sadd.s32 $0xA488, s0;
	s10 =	sadd.s32 $0x10, s23  }
0x9d: {  	[hbm4b:s10+s3] =	stream.linear.scatter [tilespmem:s26], [sflag:$0x3], $0x80, $0x38;
	[tilespmem:$0x12800] =	vst v63  }
0x9e: {  	s28 =	sadd.s32 $0xA510, s0;
	s29 =	sadd.s32 $0x20, s23  }
0x9f: {  	[hbm4b:s29+s3] =	stream.linear.scatter [tilespmem:s28], [sflag:$0x3], $0x80, $0x38;
	[tilespmem:$0x12800] =	vst v63  }
0xa0: {  	s30 =	sadd.s32 $0xA598, s0;
	s31 =	sadd.s32 $0x30, s23  }
0xa1: {  	[hbm4b:s31+s3] =	stream.linear.scatter [tilespmem:s30], [sflag:$0x3], $0x80, $0x38;
	[tilespmem:$0x12800] =	vst v63  }
0xa2: {  	s24 =	sadd.s32 $0x40, s23;
	s10 =	sadd.s32 $0xA620, s0  }
0xa3: {  	[hbm4b:s24+s3] =	stream.linear.scatter [tilespmem:s10], [sflag:$0x3], $0x80, $0x38;
	[tilespmem:$0x12800] =	vst v63  }
0xa4: {  	s25 =	sadd.s32 $0xA6A8, s0;
	p2 =	sne.s32 s21, $0x63;
	s26 =	sadd.s32 $0x50, s23  }
0xa5: {  	[hbm4b:s26+s3] =	stream.linear.scatter [tilespmem:s25], [sflag:$0x3], $0x80, $0x38;
	[tilespmem:$0x12800] =	vst v63  }
.Ltmp2:
0xa6: {  	_ = 	snop;
	(pc) =	sbr.rel @p2 .LBB2_8-.Ltmp2, $4  }
0xa7: {  	s28 =	sadd.s32 $0xA730, s0;
	s29 =	sadd.s32 $0x60, s23  }
0xa8: {  	[hbm4b:s29+s3] =	stream.linear.scatter [tilespmem:s28], [sflag:$0x3], $0x80, $0x38;
	[tilespmem:$0x12800] =	vst v63  }
0xa9: {  	s30 =	sadd.s32 $0xA7B8, s0;
	s31 =	sadd.s32 $0x70, s23  }
0xaa: {  	[hbm4b:s31+s3] =	stream.linear.scatter [tilespmem:s30], [sflag:$0x3], $0x80, $0x38;
	[tilespmem:$0x12800] =	vst v63  }
.Ltmp3:
0xab: {  	(pc) =	sbr.rel .LBB2_9-.Ltmp3, $4  }
0xac: {  	_ = 	snop  }
0xad: {  	_ =	swait.ge [sflag:s16], $0x2000  }
0xae: {  	[sflag:s16] =	ssyncset.done $0x0  }
0xaf: {  	[sflag:s16] =	ssyncadd.s32 $0xFFFFE000  }
.LBB2_8:
0xb0: {  	s0 =	sshll.u32 s21, $0x8  }
0xb1: {  	s0 =	sand.u32 $0x3FFFFF00, s0  }
.Ltmp4:
0xb2: {  	s0 =	sadd.s32 $0x100, s0;
	(pc) =	sbr.rel @p1 .LBB2_10-.Ltmp4, $4  }
0xb3: {  	[tilespmem:s12], [sflag:$0x1] =	stream.indirect.gather [spmem:s2], $0x40, s0, s9, $0xb8;
	[tilespmem:$0x12800] =	vst v63  }
0xb4: {  	_ =	swait.ge [sflag:s16], $0x2000  }
0xb5: {  	[sflag:s16] =	ssyncset.done $0x0  }
0xb6: {  	[sflag:s16] =	ssyncadd.s32 $0xFFFFE000  }
.LBB2_9:
0xb7: {  	_ =	swait.ge [sflag:s17], $0x2000  }
0xb8: {  	[sflag:s17] =	ssyncset.done $0x0  }
0xb9: {  	[sflag:s17] =	ssyncadd.s32 $0xFFFFE000  }
.LBB2_10:
0xba: {  	s0 =	simm.s32 $0x0  }
0xbb: {  	v4 =	vmov s0  }
0xbc: {  	s30 =	simm.s32 $0x8470;
	v4 =	vand.u32 $0x7E, v4  }
0xbd: {  	v5 =	vld [tilespmem:s30+$0xFFFFFF90];
	v6 =	vadd.s32 v0, v4;
	_ =	sdelay $0x4  }
0xbe: {  	s23 =	simm.s32 $0x2;
	[tilespmem:v6+s18+$0x0] =	vst.idx.msk $0xffff, v5  }
0xbf: {  	v7 =	vadd.s32 v1, v4;
	v5 =	vmov s23;
	v6 =	vld [tilespmem:s30+$0xFFFFFFA0]  }
0xc0: {  	s23 =	simm.s32 $0x84F0;
	v5 =	vand.u32 $0x7E, v5  }
0xc1: {  	v8 =	vld [tilespmem:s23+$0xFFFFFF90];
	v9 =	vadd.s32 v0, v5;
	_ =	sdelay $0x2  }
0xc2: {  	[tilespmem:v7+s18+$0x0] =	vst.idx.msk $0xffff, v6  }
0xc3: {  	v7 =	vadd.s32 v2, v4;
	v6 =	vld [tilespmem:s30+$0xFFFFFFB0]  }
0xc4: {  	s24 =	simm.s32 $0x4;
	[tilespmem:v9+s18+$0x0] =	vst.idx.msk $0xffff, v8  }
0xc5: {  	v10 =	vadd.s32 v1, v5;
	v8 =	vmov s24;
	v9 =	vld [tilespmem:s23+$0xFFFFFFA0]  }
0xc6: {  	s24 =	simm.s32 $0x8570;
	v8 =	vand.u32 $0x7E, v8  }
0xc7: {  	v11 =	vld [tilespmem:s24+$0xFFFFFF90];
	v12 =	vadd.s32 v0, v8  }
0xc8: {  	[tilespmem:v7+s18+$0x0] =	vst.idx.msk $0xffff, v6  }
0xc9: {  	v4 =	vadd.s32 v3, v4;
	v6 =	vld [tilespmem:s30+$0xFFFFFFC0]  }
0xca: {  	[tilespmem:v10+s18+$0x0] =	vst.idx.msk $0xffff, v9  }
0xcb: {  	s25 =	simm.s32 $0x6;
	v9 =	vadd.s32 v2, v5;
	v7 =	vld [tilespmem:s23+$0xFFFFFFB0]  }
0xcc: {  	s26 =	simm.s32 $0x1;
	v10 =	vmov s25;
	[tilespmem:v12+s18+$0x0] =	vst.idx.msk $0xffff, v11  }
0xcd: {  	v13 =	vmov s26;
	s25 =	simm.s32 $0x85F0;
	v12 =	vadd.s32 v1, v8;
	v10 =	vand.u32 $0x7E, v10;
	v11 =	vld [tilespmem:s24+$0xFFFFFFA0]  }
0xce: {  	v13 =	vand.u32 $0x7F, v13;
	[tilespmem:v4+s18+$0x0] =	vst.idx.msk $0xffff, v6;
	v4 =	vld [tilespmem:s25+$0xFFFFFF90];
	v6 =	vadd.s32 v0, v10  }
0xcf: {  	v15 =	vadd.s32 v0, v13;
	v14 =	vld [tilespmem:s30+$0xFFFFFFD0]  }
0xd0: {  	[tilespmem:v9+s18+$0x0] =	vst.idx.msk $0xffff, v7  }
0xd1: {  	v5 =	vadd.s32 v3, v5;
	v7 =	vld [tilespmem:s23+$0xFFFFFFC0]  }
0xd2: {  	[tilespmem:v12+s18+$0x0] =	vst.idx.msk $0xffff, v11  }
0xd3: {  	s29 =	simm.s32 $0x8;
	v11 =	vadd.s32 v2, v8;
	v9 =	vld [tilespmem:s24+$0xFFFFFFB0];
	[tilespmem:v6+s18+$0x0] =	vst.idx.msk $0xffff, v4  }
0xd4: {  	s4 =	simm.s32 $0x3;
	v16 =	vadd.s32 v1, v10;
	v4 =	vmov s29;
	v12 =	vld [tilespmem:s25+$0xFFFFFFA0];
	[tilespmem:v15+s18+$0x0] =	vst.idx.msk $0xffff, v14  }
0xd5: {  	s26 =	simm.s32 $0x8670;
	v6 =	vand.u32 $0x7E, v4;
	v4 =	vmov s4;
	v15 =	vadd.s32 v1, v13;
	v14 =	vld [tilespmem:s30+$0xFFFFFFE0]  }
0xd6: {  	[tilespmem:v5+s18+$0x0] =	vst.idx.msk $0xffff, v7;
	v5 =	vld [tilespmem:s26+$0xFFFFFF90];
	v7 =	vadd.s32 v0, v6;
	v4 =	vand.u32 $0x7F, v4  }
0xd7: {  	v17 =	vld [tilespmem:s23+$0xFFFFFFD0];
	v18 =	vadd.s32 v0, v4  }
0xd8: {  	[tilespmem:v11+s18+$0x0] =	vst.idx.msk $0xffff, v9  }
0xd9: {  	v8 =	vadd.s32 v3, v8;
	v9 =	vld [tilespmem:s24+$0xFFFFFFC0];
	[tilespmem:v16+s18+$0x0] =	vst.idx.msk $0xffff, v12  }
0xda: {  	v16 =	vadd.s32 v2, v10;
	v12 =	vld [tilespmem:s25+$0xFFFFFFB0];
	[tilespmem:v15+s18+$0x0] =	vst.idx.msk $0xffff, v14  }
0xdb: {  	s31 =	simm.s32 $0xA;
	[tilespmem:v7+s18+$0x0] =	vst.idx.msk $0xffff, v5;
	v14 =	vadd.s32 v2, v13;
	v7 =	vld [tilespmem:s30+$0xFFFFFFF0]  }
0xdc: {  	s10 =	simm.s32 $0x5;
	v19 =	vadd.s32 v1, v6;
	v5 =	vmov s31;
	v15 =	vld [tilespmem:s26+$0xFFFFFFA0];
	[tilespmem:v18+s18+$0x0] =	vst.idx.msk $0xffff, v17  }
0xdd: {  	s28 =	simm.s32 $0x86F0;
	v11 =	vand.u32 $0x7E, v5;
	v5 =	vmov s10;
	v18 =	vadd.s32 v1, v4;
	v17 =	vld [tilespmem:s23+$0xFFFFFFE0]  }
0xde: {  	[tilespmem:v8+s18+$0x0] =	vst.idx.msk $0xffff, v9;
	v9 =	vld [tilespmem:s28+$0xFFFFFF90];
	v20 =	vadd.s32 v0, v11;
	v5 =	vand.u32 $0x7F, v5  }
0xdf: {  	[tilespmem:v16+s18+$0x0] =	vst.idx.msk $0xffff, v12;
	v12 =	vld [tilespmem:s24+$0xFFFFFFD0];
	v16 =	vadd.s32 v0, v5  }
0xe0: {  	v22 =	vadd.s32 v3, v10;
	v21 =	vld [tilespmem:s25+$0xFFFFFFC0];
	[tilespmem:v14+s18+$0x0] =	vst.idx.msk $0xffff, v7  }
0xe1: {  	v10 =	vadd.s32 v3, v13;
	[tilespmem:v19+s18+$0x0] =	vst.idx.msk $0xffff, v15;
	v8 =	vld [tilespmem:s30+$0x0]  }
0xe2: {  	v15 =	vadd.s32 v2, v6;
	v14 =	vld [tilespmem:s26+$0xFFFFFFB0];
	[tilespmem:v18+s18+$0x0] =	vst.idx.msk $0xffff, v17  }
0xe3: {  	s0 =	simm.s32 $0xC;
	[tilespmem:v20+s18+$0x0] =	vst.idx.msk $0xffff, v9;
	v9 =	vadd.s32 v2, v4;
	v7 =	vld [tilespmem:s23+$0xFFFFFFF0]  }
0xe4: {  	s4 =	simm.s32 $0x7;
	v13 =	vmov s0;
	v18 =	vadd.s32 v1, v11;
	v17 =	vld [tilespmem:s28+$0xFFFFFFA0];
	[tilespmem:v16+s18+$0x0] =	vst.idx.msk $0xffff, v12  }
0xe5: {  	s10 =	simm.s32 $0xE;
	v19 =	vmov s4;
	s30 =	simm.s32 $0x8770;
	v16 =	vand.u32 $0x7E, v13;
	v13 =	vadd.s32 v1, v5;
	[tilespmem:v22+s18+$0x0] =	vst.idx.msk $0xffff, v21;
	v12 =	vld [tilespmem:s24+$0xFFFFFFE0]  }
.LBB2_11:
0xe6: {  	p1 =	slt.u32 s10, $0x7E;
	v20 =	vld [tilespmem:s30+$0xFFFFFF90];
	v21 =	vadd.s32 v0, v16;
	v19 =	vand.u32 $0x7F, v19;
	[tilespmem:v10+s18+$0x0] =	vst.idx.msk $0xffff, v8  }
0xe7: {  	[tilespmem:v15+s18+$0x0] =	vst.idx.msk $0xffff, v14;
	v22 =	vld [tilespmem:s25+$0xFFFFFFD0];
	v23 =	vadd.s32 v0, v19  }
0xe8: {  	v25 =	vadd.s32 v3, v6;
	v6 =	vmov v11;
	v11 =	vmov v16;
	v24 =	vld [tilespmem:s26+$0xFFFFFFC0];
	[tilespmem:v9+s18+$0x0] =	vst.idx.msk $0xffff, v7  }
.Ltmp5:
0xe9: {  	v10 =	vadd.s32 v3, v4;
	v4 =	vmov v5;
	v5 =	vmov v19;
	[tilespmem:v18+s18+$0x0] =	vst.idx.msk $0xffff, v17;
	v8 =	vld [tilespmem:s23+$0x0];
	s23 =	smov.u32 s24;
	s24 =	smov.u32 s25;
	(pc) =	sbr.rel @p1 .LBB2_11-.Ltmp5, $4  }
0xea: {  	v15 =	vadd.s32 v2, v6;
	s25 =	smov.u32 s26;
	s26 =	smov.u32 s28;
	v14 =	vld [tilespmem:s28+$0xFFFFFFB0];
	[tilespmem:v13+s18+$0x0] =	vst.idx.msk $0xffff, v12;
	s28 =	smov.u32 s30  }
0xeb: {  	v9 =	vadd.s32 v2, v4;
	[tilespmem:v21+s18+$0x0] =	vst.idx.msk $0xffff, v20;
	v7 =	vld [tilespmem:s23+$0xFFFFFFF0]  }
0xec: {  	s4 =	sadd.s32 $0x1, s29;
	s29 =	smov.u32 s31;
	s31 =	smov.u32 s0;
	v18 =	vadd.s32 v1, v11;
	v12 =	vmov s10;
	v17 =	vld [tilespmem:s30+$0xFFFFFFA0];
	[tilespmem:v23+s18+$0x0] =	vst.idx.msk $0xffff, v22  }
0xed: {  	s0 =	smov.u32 s10;
	v19 =	vmov s4;
	v13 =	vadd.s32 v1, v5;
	s10 =	sadd.s32 $0x2, s10;
	v16 =	vand.u32 $0x7E, v12;
	s30 =	sadd.s32 $0x80, s30;
	[tilespmem:v25+s18+$0x0] =	vst.idx.msk $0xffff, v24;
	v12 =	vld [tilespmem:s24+$0xFFFFFFE0]  }
0xee: {  	v20 =	vld [tilespmem:s30+$0xFFFFFF90];
	v21 =	vadd.s32 v0, v16;
	_ =	sdelay $0x4  }
0xef: {  	[tilespmem:v21+s18+$0x0] =	vst.idx.msk $0xffff, v20  }
0xf0: {  	v29 =	vadd.s32 v1, v16;
	v20 =	vld [tilespmem:s30+$0xFFFFFFA0];
	_ =	sdelay $0x3  }
0xf1: {  	[tilespmem:v18+s18+$0x0] =	vst.idx.msk $0xffff, v17  }
0xf2: {  	v30 =	vadd.s32 v2, v11;
	v17 =	vld [tilespmem:s28+$0xFFFFFFB0];
	[tilespmem:v29+s18+$0x0] =	vst.idx.msk $0xffff, v20  }
0xf3: {  	v31 =	vadd.s32 v2, v16;
	v20 =	vld [tilespmem:s30+$0xFFFFFFB0];
	_ =	sdelay $0x2  }
0xf4: {  	[tilespmem:v15+s18+$0x0] =	vst.idx.msk $0xffff, v14  }
0xf5: {  	v6 =	vadd.s32 v3, v6;
	v14 =	vld [tilespmem:s26+$0xFFFFFFC0];
	[tilespmem:v30+s18+$0x0] =	vst.idx.msk $0xffff, v17  }
0xf6: {  	v33 =	vadd.s32 v3, v11;
	v32 =	vld [tilespmem:s28+$0xFFFFFFC0];
	[tilespmem:v31+s18+$0x0] =	vst.idx.msk $0xffff, v20  }
0xf7: {  	v35 =	vadd.s32 v3, v16;
	v34 =	vld [tilespmem:s30+$0xFFFFFFC0]  }
0xf8: {  	s4 =	sadd.s32 $0x1, s29  }
0xf9: {  	v36 =	vand.u32 $0x7F, v19;
	s10 =	sadd.s32 $0x1, s31;
	v37 =	vmov s4  }
0xfa: {  	v38 =	vld [tilespmem:s25+$0xFFFFFFD0];
	s0 =	sadd.s32 $0x1, s0;
	v39 =	vadd.s32 v0, v36;
	v41 =	vmov s10;
	v40 =	vand.u32 $0x7F, v37;
	[tilespmem:v6+s18+$0x0] =	vst.idx.msk $0xffff, v14  }
0xfb: {  	v44 =	vmov s0;
	v43 =	vand.u32 $0x7F, v41;
	v22 =	vadd.s32 v0, v40;
	v42 =	vld [tilespmem:s26+$0xFFFFFFD0];
	[tilespmem:v33+s18+$0x0] =	vst.idx.msk $0xffff, v32  }
0xfc: {  	v23 =	vadd.s32 v0, v43;
	v14 =	vand.u32 $0x7F, v44;
	v15 =	vld [tilespmem:s28+$0xFFFFFFD0];
	[tilespmem:v35+s18+$0x0] =	vst.idx.msk $0xffff, v34  }
0xfd: {  	v45 =	vadd.s32 v0, v14;
	v16 =	vld [tilespmem:s30+$0xFFFFFFD0];
	_ =	sdelay $0x1  }
0xfe: {  	[tilespmem:v39+s18+$0x0] =	vst.idx.msk $0xffff, v38  }
0xff: {  	v47 =	vadd.s32 v1, v36;
	v46 =	vld [tilespmem:s25+$0xFFFFFFE0];
	[tilespmem:v22+s18+$0x0] =	vst.idx.msk $0xffff, v42  }
0x100: {  	v49 =	vadd.s32 v1, v40;
	v48 =	vld [tilespmem:s26+$0xFFFFFFE0];
	[tilespmem:v23+s18+$0x0] =	vst.idx.msk $0xffff, v15  }
0x101: {  	v51 =	vadd.s32 v1, v43;
	v50 =	vld [tilespmem:s28+$0xFFFFFFE0];
	[tilespmem:v45+s18+$0x0] =	vst.idx.msk $0xffff, v16  }
0x102: {  	[tilespmem:v10+s18+$0x0] =	vst.idx.msk $0xffff, v8;
	v53 =	vadd.s32 v1, v14;
	v52 =	vld [tilespmem:s30+$0xFFFFFFE0]  }
0x103: {  	[tilespmem:v13+s18+$0x0] =	vst.idx.msk $0xffff, v12  }
0x104: {  	v54 =	vadd.s32 v2, v5;
	v12 =	vld [tilespmem:s24+$0xFFFFFFF0];
	[tilespmem:v47+s18+$0x0] =	vst.idx.msk $0xffff, v46  }
0x105: {  	v55 =	vadd.s32 v2, v36;
	v19 =	vld [tilespmem:s25+$0xFFFFFFF0];
	[tilespmem:v49+s18+$0x0] =	vst.idx.msk $0xffff, v48  }
0x106: {  	v56 =	vadd.s32 v2, v40;
	v15 =	vld [tilespmem:s26+$0xFFFFFFF0];
	[tilespmem:v51+s18+$0x0] =	vst.idx.msk $0xffff, v50  }
0x107: {  	v57 =	vadd.s32 v2, v43;
	v16 =	vld [tilespmem:s28+$0xFFFFFFF0];
	[tilespmem:v53+s18+$0x0] =	vst.idx.msk $0xffff, v52  }
0x108: {  	[tilespmem:v9+s18+$0x0] =	vst.idx.msk $0xffff, v7;
	v59 =	vadd.s32 v2, v14;
	v58 =	vld [tilespmem:s30+$0xFFFFFFF0]  }
0x109: {  	v4 =	vadd.s32 v3, v4;
	v9 =	vld [tilespmem:s23+$0x0];
	[tilespmem:v54+s18+$0x0] =	vst.idx.msk $0xffff, v12  }
0x10a: {  	v5 =	vadd.s32 v3, v5;
	v60 =	vld [tilespmem:s24+$0x0];
	[tilespmem:v55+s18+$0x0] =	vst.idx.msk $0xffff, v19  }
0x10b: {  	v62 =	vadd.s32 v3, v36;
	v61 =	vld [tilespmem:s25+$0x0];
	[tilespmem:v56+s18+$0x0] =	vst.idx.msk $0xffff, v15  }
0x10c: {  	v6 =	vadd.s32 v3, v40;
	v15 =	vld [tilespmem:s26+$0x0];
	[tilespmem:v57+s18+$0x0] =	vst.idx.msk $0xffff, v16  }
0x10d: {  	v11 =	vadd.s32 v3, v43;
	v16 =	vld [tilespmem:s28+$0x0];
	[tilespmem:v59+s18+$0x0] =	vst.idx.msk $0xffff, v58  }
0x10e: {  	[tilespmem:v4+s18+$0x0] =	vst.idx.msk $0xffff, v9;
	v63 =	vadd.s32 v3, v14;
	v4 =	vld [tilespmem:s30+$0x0]  }
0x10f: {  	[tilespmem:v5+s18+$0x0] =	vst.idx.msk $0xffff, v60  }
0x110: {  	s29 =	sshll.u32 s22, $0x12;
	[tilespmem:v62+s18+$0x0] =	vst.idx.msk $0xffff, v61  }
0x111: {  	s0 =	sor.u32 s6, s29;
	[tilespmem:v6+s18+$0x0] =	vst.idx.msk $0xffff, v15  }
0x112: {  	s0 =	sshrl.u32 s0, $0x3;
	[tilespmem:v11+s18+$0x0] =	vst.idx.msk $0xffff, v16  }
0x113: {  	s4 =	sadd.s32 s1, s0;
	s30 =	simm.s32 $0xC600;
	[tilespmem:v63+s18+$0x0] =	vst.idx.msk $0xffff, v4  }
0x114: {  	[hbm4b:s4+s3] =	stream.linear.scatter [tilespmem:s30], [sflag:$0x4], $0x80, $0x38;
	[tilespmem:$0x12800] =	vst v63  }
0x115: {  	s31 =	simm.s32 $0xC688;
	s10 =	sadd.s32 $0x10, s4  }
0x116: {  	[hbm4b:s10+s3] =	stream.linear.scatter [tilespmem:s31], [sflag:$0x4], $0x80, $0x38;
	[tilespmem:$0x12800] =	vst v63  }
0x117: {  	s23 =	simm.s32 $0xC798;
	s22 =	sadd.s32 $0x20, s4;
	s10 =	simm.s32 $0xC710  }
0x118: {  	[hbm4b:s22+s3] =	stream.linear.scatter [tilespmem:s10], [sflag:$0x4], $0x80, $0x38;
	[tilespmem:$0x12800] =	vst v63  }
0x119: {  	s0 =	simm.s32 $0x440;
	s29 =	sadd.s32 $0x50, s4;
	s24 =	sadd.s32 $0x30, s4  }
0x11a: {  	[hbm4b:s24+s3] =	stream.linear.scatter [tilespmem:s23], [sflag:$0x4], $0x80, $0x38;
	[tilespmem:$0x12800] =	vst v63  }
0x11b: {  	s25 =	simm.s32 $0xC820;
	s26 =	sadd.s32 $0x40, s4;
	s28 =	simm.s32 $0xC8A8  }
0x11c: {  	[hbm4b:s26+s3] =	stream.linear.scatter [tilespmem:s25], [sflag:$0x4], $0x80, $0x38;
	[tilespmem:$0x12800] =	vst v63  }
0x11d: {  	s30 =	simm.s32 $0xC930;
	s31 =	sadd.s32 $0x60, s4;
	s10 =	simm.s32 $0x2200  }
0x11e: {  	[hbm4b:s29+s3] =	stream.linear.scatter [tilespmem:s28], [sflag:$0x4], $0x80, $0x38;
	[tilespmem:$0x12800] =	vst v63  }
0x11f: {  	s22 =	sadd.s32 $0x1000, s4;
	s23 =	simm.s32 $0xC9B8;
	s24 =	sadd.s32 $0x70, s4  }
0x120: {  	[hbm4b:s31+s3] =	stream.linear.scatter [tilespmem:s30], [sflag:$0x4], $0x80, $0x38;
	[tilespmem:$0x12800] =	vst v63  }
.LBB2_13:
0x121: {  	[hbm4b:s24+s3] =	stream.linear.scatter [tilespmem:s23], [sflag:$0x4], $0x80, $0x38;
	[tilespmem:$0x12800] =	vst v63  }
0x122: {  	s4 =	smov.u32 s0;
	s0 =	smov.u32 s10  }
0x123: {  	s25 =	sadd.s32 $0x1100, s10;
	s0 =	sshra.s32 s0, $0x2;
	s23 =	sadd.s32 $0xC600, s4  }
0x124: {  	[hbm4b:s22+s3] =	stream.linear.scatter [tilespmem:s23], [sflag:$0x4], $0x80, $0x38;
	[tilespmem:$0x12800] =	vst v63  }
0x125: {  	p1 =	sne.s32 s10, $0x7700;
	s10 =	sadd.s32 $0xC688, s4;
	s23 =	sadd.s32 $0x10, s22  }
0x126: {  	[hbm4b:s23+s3] =	stream.linear.scatter [tilespmem:s10], [sflag:$0x4], $0x80, $0x38;
	[tilespmem:$0x12800] =	vst v63  }
0x127: {  	s10 =	sadd.s32 $0xC710, s4;
	s23 =	sadd.s32 $0x20, s22  }
0x128: {  	[hbm4b:s23+s3] =	stream.linear.scatter [tilespmem:s10], [sflag:$0x4], $0x80, $0x38;
	[tilespmem:$0x12800] =	vst v63  }
0x129: {  	s10 =	sadd.s32 $0xC798, s4;
	s23 =	sadd.s32 $0x30, s22  }
0x12a: {  	[hbm4b:s23+s3] =	stream.linear.scatter [tilespmem:s10], [sflag:$0x4], $0x80, $0x38;
	[tilespmem:$0x12800] =	vst v63  }
0x12b: {  	s10 =	sadd.s32 $0xC820, s4;
	s23 =	sadd.s32 $0x40, s22  }
0x12c: {  	[hbm4b:s23+s3] =	stream.linear.scatter [tilespmem:s10], [sflag:$0x4], $0x80, $0x38;
	[tilespmem:$0x12800] =	vst v63  }
.Ltmp6:
0x12d: {  	s10 =	sadd.s32 $0xC8A8, s4;
	s23 =	sadd.s32 $0x50, s22;
	(pc) =	sbr.rel @p1 .LBB2_13-.Ltmp6, $4  }
0x12e: {  	[hbm4b:s23+s3] =	stream.linear.scatter [tilespmem:s10], [sflag:$0x4], $0x80, $0x38;
	[tilespmem:$0x12800] =	vst v63  }
0x12f: {  	s24 =	sadd.s32 $0x70, s22;
	s10 =	sadd.s32 $0xC930, s4;
	s23 =	sadd.s32 $0x60, s22  }
0x130: {  	[hbm4b:s23+s3] =	stream.linear.scatter [tilespmem:s10], [sflag:$0x4], $0x80, $0x38;
	[tilespmem:$0x12800] =	vst v63  }
0x131: {  	s22 =	sadd.s32 $0x1000, s22;
	s23 =	sadd.s32 $0xC9B8, s4;
	s10 =	smov.u32 s25  }
0x132: {  	[hbm4b:s24+s3] =	stream.linear.scatter [tilespmem:s23], [sflag:$0x4], $0x80, $0x38;
	[tilespmem:$0x12800] =	vst v63  }
0x133: {  	s4 =	sadd.s32 $0xC600, s0  }
0x134: {  	[hbm4b:s22+s3] =	stream.linear.scatter [tilespmem:s4], [sflag:$0x4], $0x80, $0x38;
	[tilespmem:$0x12800] =	vst v63  }
0x135: {  	s26 =	sadd.s32 $0xC688, s0;
	s10 =	sadd.s32 $0x10, s22  }
0x136: {  	[hbm4b:s10+s3] =	stream.linear.scatter [tilespmem:s26], [sflag:$0x4], $0x80, $0x38;
	[tilespmem:$0x12800] =	vst v63  }
0x137: {  	s28 =	sadd.s32 $0xC710, s0;
	s29 =	sadd.s32 $0x20, s22  }
0x138: {  	[hbm4b:s29+s3] =	stream.linear.scatter [tilespmem:s28], [sflag:$0x4], $0x80, $0x38;
	[tilespmem:$0x12800] =	vst v63  }
0x139: {  	s30 =	sadd.s32 $0xC798, s0;
	s31 =	sadd.s32 $0x30, s22  }
0x13a: {  	[hbm4b:s31+s3] =	stream.linear.scatter [tilespmem:s30], [sflag:$0x4], $0x80, $0x38;
	[tilespmem:$0x12800] =	vst v63  }
0x13b: {  	s23 =	sadd.s32 $0xC820, s0;
	s24 =	sadd.s32 $0x40, s22;
	s21 =	sadd.s32 $0x1, s21  }
0x13c: {  	[hbm4b:s24+s3] =	stream.linear.scatter [tilespmem:s23], [sflag:$0x4], $0x80, $0x38;
	[tilespmem:$0x12800] =	vst v63  }
0x13d: {  	s25 =	sadd.s32 $0xC8A8, s0;
	p1 =	sne.s32 s21, $0x64;
	s26 =	sadd.s32 $0x50, s22  }
0x13e: {  	[hbm4b:s26+s3] =	stream.linear.scatter [tilespmem:s25], [sflag:$0x4], $0x80, $0x38;
	[tilespmem:$0x12800] =	vst v63  }
.Ltmp7:
0x13f: {  	_ = 	snop;
	(pc) =	sbr.rel @p1 .LBB2_2-.Ltmp7, $4  }
0x140: {  	s28 =	sadd.s32 $0xC930, s0;
	s29 =	sadd.s32 $0x60, s22  }
0x141: {  	[hbm4b:s29+s3] =	stream.linear.scatter [tilespmem:s28], [sflag:$0x4], $0x80, $0x38;
	[tilespmem:$0x12800] =	vst v63  }
0x142: {  	s30 =	sadd.s32 $0xC9B8, s0;
	s31 =	sadd.s32 $0x70, s22  }
0x143: {  	[hbm4b:s31+s3] =	stream.linear.scatter [tilespmem:s30], [sflag:$0x4], $0x80, $0x38;
	[tilespmem:$0x12800] =	vst v63  }
0x144: {  	s20 =	sadd.s32 $0x1, s20  }
0x145: {  	_ =	swait.ge [sflag:s19], $0x2000;
	p1 =	sne.s32 s20, s7  }
.Ltmp8:
0x146: {  	[sflag:s19] =	ssyncset.done $0x0;
	(pc) =	sbr.rel @p1 .LBB2_1-.Ltmp8, $4  }
0x147: {  	[sflag:s19] =	ssyncadd.s32 $0xFFFFE000  }
0x148: {  	_ =	swait.ge [sflag:s17], $0x2000  }
0x149: {  	[sflag:s17] =	ssyncset.done $0x0  }
0x14a: {  	[sflag:s17] =	ssyncadd.s32 $0xFFFFE000  }
0x14b: {  	_ =	sfence.sel $0x180000  }
0x14c: {  	[bflag:$0x0] =	sbarrier.arrive $0xFFFF  }
0x14d: {  	_ =	strace $0x90000047  }
0x14e: {  	[bflag:$0x2] =	sbarrier.arrive $0xFFFF  }
0x14f: {  	s0 =	rddreg [dreg:$0x3]  }
0x150: {  	s0 =	sadd.s32 @!p0 $0x100000, s0  }
0x151: {  	[sflag:s0] =	ssyncadd.tile.s32 @!p0 $0x1;
	_ =	shalt  }
.Lfunc_end2:
_tile_overlayer_lowered:
.L_overlay_start_2:
0x152: {  	(tag) =	ssettag $0x2  }
0x153: {  	s0 =	rddreg [dreg:$0x0];
	s2 =	stileid.u32  }
0x154: {  	s1 =	rddreg [dreg:$0x1];
	p0 =	sne.s32 s2, $0x0  }
0x155: {  	s3 =	rddreg [dreg:$0x2];
	[bflag:$0x3] =	sbarrier.arrive $0xFFFF;
	s2 =	simm.s32 @!p0 $0x1C05  }
0x156: {  	[timem:s3], [sflag:s2] =	dma.local @!p0 [hbm:s0], s1  }
0x157: {  	s0 =	simm.s32 @!p0 $0x5  }
0x158: {  	_ =	swait.ge @!p0 [sflag:s0], s1  }
0x159: {  	s1 =	ssub.s32 @!p0 $0x0, s1;
	[sflag:s0] =	ssyncset.done @!p0 $0x0  }
0x15a: {  	[sflag:s0] =	ssyncadd.s32 @!p0 s1  }
0x15b: {  	[bflag:$0x3] =	sbarrier.arrive $0xFFFF  }
0x15c: {  	_ =	shalt  }

</sc_bundles>
